<compile_context>
chip_gen: v7x
topology: tpu7x:2x2x1
jax: 0.10.2.dev20260603
libtpu: 0.0.44.dev20260713+nightly
codegen_flags: <defaults>
</compile_context>

<pallas_src>
import jax
import jax.numpy as jnp
from jax.experimental import pallas as pl
from jax.experimental.pallas import tpu as pltpu
from jax.experimental.pallas import tpu_sc as plsc

B = 16384
F = 26
V = 100000
D = 32
ND = 13
H1 = 256
H2 = 128
EPS = 1e-5

BF = B * F
R = 1024
NB = B // R
W_SC = 512


def _sc_gather(emb_flat, fm32, idx_t, idx32_t):
    mesh = plsc.VectorSubcoreMesh(core_axis_name="c", subcore_axis_name="s")

    @pl.kernel(
        out_type=[jax.ShapeDtypeStruct((B, F * D), emb_flat.dtype),
                  jax.ShapeDtypeStruct((B, F * D), fm32.dtype)],
        mesh=mesh,
        compiler_params=pltpu.CompilerParams(use_tc_tiling_on_sc=False),
    )
    def gather_kernel(e_hbm, f_hbm, ie_hbm, if_hbm, oe_hbm, of_hbm):
        def body(ie_vmem, if_vmem, oe_vmem, of_vmem):
            pltpu.sync_copy(e_hbm.at[ie_vmem.at[0, 0]], oe_vmem)
            pltpu.sync_copy(f_hbm.at[if_vmem.at[0, 0]], of_vmem)

        pltpu.emit_pipeline(
            body,
            grid=(B // W_SC, F),
            in_specs=[pl.BlockSpec((1, 1, W_SC), lambda i, f: (f, 0, i)),
                      pl.BlockSpec((1, 1, W_SC), lambda i, f: (f, 0, i))],
            out_specs=[pl.BlockSpec((W_SC, D), lambda i, f: (i, f)),
                       pl.BlockSpec((W_SC, D), lambda i, f: (i, f))],
            core_axis_name=("c", "s"),
            dimension_semantics=(pltpu.PARALLEL, pltpu.PARALLEL),
        )(ie_hbm, if_hbm, oe_hbm, of_hbm)

    return gather_kernel(emb_flat, fm32, idx_t, idx32_t)




def _stats_body(xe_ref, xn_ref, oe_ref, on_ref):
    i = pl.program_id(0)

    @pl.when(i == 0)
    def _():
        oe_ref[...] = jnp.zeros_like(oe_ref)
        on_ref[...] = jnp.zeros_like(on_ref)

    xe = xe_ref[...]
    xn = xn_ref[...]
    oe_ref[0:1, :] += jnp.sum(xe, axis=0, keepdims=True)
    oe_ref[1:2, :] += jnp.sum(xe * xe, axis=0, keepdims=True)
    on_ref[0:1, :] += jnp.sum(xn, axis=0, keepdims=True)
    on_ref[1:2, :] += jnp.sum(xn * xn, axis=0, keepdims=True)


def _bn_coeffs(stats, g, be):
    mean = stats[0:1, :] * (1.0 / B)
    var = stats[1:2, :] * (1.0 / B) - mean * mean
    a = g * jax.lax.rsqrt(var + EPS)
    c = be - mean * a
    return a, c




def _h1_body(xe_ref, xn_ref, se_ref, sn_ref, g0e_ref, be0e_ref, g0n_ref,
             be0n_ref, w1e_ref, w1n_ref, b1_ref, h1_ref, so_ref, st1_ref):
    i = pl.program_id(0)

    @pl.when(i == 0)
    def _():
        st1_ref[...] = jnp.zeros_like(st1_ref)

    xe = xe_ref[...]
    xn = xn_ref[...]

    s = jnp.zeros((xe.shape[0], D), dtype=jnp.float32)
    sq = jnp.zeros((xe.shape[0], D), dtype=jnp.float32)
    for f in range(F):
        sl = xe[:, f * D:(f + 1) * D]
        s = s + sl
        sq = sq + sl * sl
    so_ref[...] = 0.5 * (s * s - sq)

    ae, ce = _bn_coeffs(se_ref[...], g0e_ref[...], be0e_ref[...])
    an, cn = _bn_coeffs(sn_ref[...], g0n_ref[...], be0n_ref[...])
    xen = (xe * ae + ce).astype(jnp.bfloat16)
    xnn = (xn * an + cn).astype(jnp.bfloat16)
    h1 = (jnp.dot(xen, w1e_ref[...], preferred_element_type=jnp.float32)
          + jnp.dot(xnn, w1n_ref[...], preferred_element_type=jnp.float32)
          + b1_ref[...])
    h1_ref[...] = h1
    st1_ref[0:1, :] += jnp.sum(h1, axis=0, keepdims=True)
    st1_ref[1:2, :] += jnp.sum(h1 * h1, axis=0, keepdims=True)




def _h2_body(h1_ref, st1_ref, g1_ref, be1_ref, w2_ref, b2_ref, h2_ref,
             st2_ref):
    i = pl.program_id(0)

    @pl.when(i == 0)
    def _():
        st2_ref[...] = jnp.zeros_like(st2_ref)

    a1, c1 = _bn_coeffs(st1_ref[...], g1_ref[...], be1_ref[...])
    h1n = (h1_ref[...] * a1 + c1).astype(jnp.bfloat16)
    h2 = (jnp.dot(h1n, w2_ref[...], preferred_element_type=jnp.float32)
          + b2_ref[...])
    h2_ref[...] = h2
    st2_ref[0:1, :] += jnp.sum(h2, axis=0, keepdims=True)
    st2_ref[1:2, :] += jnp.sum(h2 * h2, axis=0, keepdims=True)




def _out_body(h2_ref, st2_ref, g2_ref, be2_ref, fx_ref, km_ref, so_ref,
              wpfx_ref, wps_ref, wpd_ref, bp_ref, out_ref):
    a2, c2 = _bn_coeffs(st2_ref[...], g2_ref[...], be2_ref[...])
    h2n = h2_ref[...] * a2 + c2
    km = km_ref[...]
    kmx = jnp.concatenate(
        [jnp.broadcast_to(km[:, f:f + 1], (km.shape[0], D)) for f in range(F)],
        axis=1)
    lane = jax.lax.broadcasted_iota(jnp.int32, (1, F * D), 1) % D
    sel = (kmx == lane).astype(jnp.float32)
    val = (jnp.sum(h2n * wpd_ref[...], axis=1, keepdims=True)
           + jnp.sum(so_ref[...] * wps_ref[...], axis=1, keepdims=True)
           + jnp.sum(fx_ref[...] * sel * wpfx_ref[...], axis=1, keepdims=True)
           + bp_ref[...])
    out_ref[...] = jax.nn.sigmoid(val)


def _bcast_spec(shape):
    return pl.BlockSpec(shape, lambda i: (0, 0))


def _row_spec(width):
    return pl.BlockSpec((R, width), lambda i: (i, 0))


@jax.jit
def kernel(numb_features, features, emb_table, fm_table, W1, b1, W2, b2, Wp,
           bp, g0, be0, g1, be1, g2, be2):
    foffs = (jnp.arange(F, dtype=jnp.int32))[None, :]
    flat_idx = features + foffs * V
    idx32 = foffs * (V // D) + features // D
    km = features % D

    idx_t = flat_idx.T.reshape(F, 1, B)
    idx32_t = idx32.T.reshape(F, 1, B)

    emb_flat = emb_table.reshape(F * V, D)
    fm32 = fm_table.reshape(F * V // D, D)

    xe, fx = _sc_gather(emb_flat, fm32, idx_t, idx32_t)

    se, sn = pl.pallas_call(
        _stats_body,
        grid=(NB,),
        in_specs=[_row_spec(F * D), _row_spec(ND)],
        out_specs=[_bcast_spec((8, F * D)), _bcast_spec((8, ND))],
        out_shape=[jax.ShapeDtypeStruct((8, F * D), jnp.float32),
                   jax.ShapeDtypeStruct((8, ND), jnp.float32)],
    )(xe, numb_features)

    h1, so, st1 = pl.pallas_call(
        _h1_body,
        grid=(NB,),
        in_specs=[
            _row_spec(F * D), _row_spec(ND),
            _bcast_spec((8, F * D)), _bcast_spec((8, ND)),
            _bcast_spec((1, F * D)), _bcast_spec((1, F * D)),
            _bcast_spec((1, ND)), _bcast_spec((1, ND)),
            _bcast_spec((F * D, H1)), _bcast_spec((ND, H1)),
            _bcast_spec((1, H1)),
        ],
        out_specs=[_row_spec(H1), _row_spec(D), _bcast_spec((8, H1))],
        out_shape=[jax.ShapeDtypeStruct((B, H1), jnp.float32),
                   jax.ShapeDtypeStruct((B, D), jnp.float32),
                   jax.ShapeDtypeStruct((8, H1), jnp.float32)],
    )(xe, numb_features, se, sn,
      g0[:F * D].reshape(1, F * D), be0[:F * D].reshape(1, F * D),
      g0[F * D:].reshape(1, ND), be0[F * D:].reshape(1, ND),
      W1[:F * D].astype(jnp.bfloat16), W1[F * D:].astype(jnp.bfloat16),
      b1.reshape(1, H1))

    h2, st2 = pl.pallas_call(
        _h2_body,
        grid=(NB,),
        in_specs=[
            _row_spec(H1), _bcast_spec((8, H1)),
            _bcast_spec((1, H1)), _bcast_spec((1, H1)),
            _bcast_spec((H1, H2)), _bcast_spec((1, H2)),
        ],
        out_specs=[_row_spec(H2), _bcast_spec((8, H2))],
        out_shape=[jax.ShapeDtypeStruct((B, H2), jnp.float32),
                   jax.ShapeDtypeStruct((8, H2), jnp.float32)],
    )(h1, st1, g1.reshape(1, H1), be1.reshape(1, H1),
      W2.astype(jnp.bfloat16), b2.reshape(1, H2))

    out = pl.pallas_call(
        _out_body,
        grid=(NB,),
        in_specs=[
            _row_spec(H2), _bcast_spec((8, H2)),
            _bcast_spec((1, H2)), _bcast_spec((1, H2)),
            _row_spec(F * D), _row_spec(F), _row_spec(D),
            _bcast_spec((1, F * D)), _bcast_spec((1, D)), _bcast_spec((1, H2)),
            _bcast_spec((1, 1)),
        ],
        out_specs=_row_spec(1),
        out_shape=jax.ShapeDtypeStruct((B, 1), jnp.float32),
    )(h2, st2, g2.reshape(1, H2), be2.reshape(1, H2), fx, km, so,
      jnp.repeat(Wp[:F, 0], D).reshape(1, F * D), Wp[F:F + D].reshape(1, D),
      Wp[F + D:].reshape(1, H2), bp.reshape(1, 1))

    return out

# --- scband reference (transcript-rebuilt; emitter-appended) ---
"""Pipeline reference for scband-deep-fm-59433757442260 (READ-ONLY COPY).

The authoritative reference and input builder live on the scoring server;
editing this copy changes nothing except your own understanding.
"""

import jax, jax.numpy as jnp
import numpy as np

B = 16384
F = 26
V = 100000
D = 32
ND = 13
H1 = 256
H2 = 128
EPS = 1e-5


def _bn(x, g, b):
    # torch BatchNorm1d in training mode: batch mean, biased batch var
    m = jnp.mean(x, axis=0, keepdims=True)
    v = jnp.var(x, axis=0, keepdims=True)
    return (x - m) / jnp.sqrt(v + EPS) * g + b


def setup_inputs(seed: int = 0) -> dict:
    key = jax.random.key(seed)
    ks = jax.random.split(key, 12)
    d_in = F * D + ND
    inp = {}
    inp["numb_features"] = jax.random.normal(ks[0], (B, ND), dtype=jnp.float32)
    inp["features"] = jax.random.randint(ks[1], (B, F), 0, V, dtype=jnp.int32)
    inp["emb_table"] = jax.random.normal(ks[2], (F, V, D), dtype=jnp.float32) * 0.01
    inp["fm_table"] = jax.random.normal(ks[3], (F, V, 1), dtype=jnp.float32) * 0.01
    inp["W1"] = jax.random.normal(ks[4], (d_in, H1), dtype=jnp.float32) / np.sqrt(d_in)
    inp["b1"] = jnp.zeros((H1,), dtype=jnp.float32)
    inp["W2"] = jax.random.normal(ks[5], (H1, H2), dtype=jnp.float32) / np.sqrt(H1)
    inp["b2"] = jnp.zeros((H2,), dtype=jnp.float32)
    inp["Wp"] = jax.random.normal(ks[6], (H2 + D + F, 1), dtype=jnp.float32) / np.sqrt(H2 + D + F)
    inp["bp"] = jnp.zeros((1,), dtype=jnp.float32)
    inp["g0"] = jnp.ones((d_in,), dtype=jnp.float32)
    inp["be0"] = jnp.zeros((d_in,), dtype=jnp.float32)
    inp["g1"] = jnp.ones((H1,), dtype=jnp.float32)
    inp["be1"] = jnp.zeros((H1,), dtype=jnp.float32)
    inp["g2"] = jnp.ones((H2,), dtype=jnp.float32)
    inp["be2"] = jnp.zeros((H2,), dtype=jnp.float32)
    return inp


def reference(numb_features, features, emb_table, fm_table, W1, b1, W2, b2, Wp, bp, g0, be0, g1, be1, g2, be2):
    fidx = jnp.arange(F)[None, :]
    # fm first-order lookups: [B, F, 1] -> [B, F]
    first_order = fm_table[fidx, features][..., 0]
    # second-order embeddings: [B, F, D]
    embs = emb_table[fidx, features]
    embedding = embs.reshape(embs.shape[0], F * D)
    s = jnp.sum(embs, axis=1)
    sum_square = s * s
    square_sum = jnp.sum(embs * embs, axis=1)
    second_order = 0.5 * (sum_square - square_sum)
    fm_result = jnp.concatenate([first_order, second_order], axis=1)
    # deep tower (dropout is identity in eval / deterministic reference)
    deep = jnp.concatenate([embedding, numb_features], axis=1)
    deep = _bn(deep, g0, be0)
    deep = _bn(deep @ W1 + b1, g1, be1)
    deep = _bn(deep @ W2 + b2, g2, be2)
    out = jnp.concatenate([fm_result, deep], axis=1) @ Wp + bp
    return jax.nn.sigmoid(out)

if __name__ == "__main__":
    import jax
    _d = setup_inputs()
    print(jax.jit(kernel)(*tuple(_d.values())))

</pallas_src>

<mosaic_0001>
#map = affine_map<(d0, d1) -> (0, 0)>
#map1 = affine_map<(d0, d1) -> (0, 0, 0)>
module attributes {stable_mosaic.version = 14 : i64} {
  func.func @gather_kernel(%arg0: i32, %arg1: i32, %arg2: memref<2600000x32xf32, #tpu.memory_space<hbm>>, %arg3: memref<81250x32xf32, #tpu.memory_space<hbm>>, %arg4: memref<26x1x16384xi32, #tpu.memory_space<hbm>>, %arg5: memref<26x1x16384xi32, #tpu.memory_space<hbm>>, %arg6: memref<16384x832xf32, #tpu.memory_space<hbm>>, %arg7: memref<16384x832xf32, #tpu.memory_space<hbm>>) attributes {dimension_semantics = [#tpu.dimension_semantics<core_parallel>, #tpu.dimension_semantics<subcore_parallel>], iteration_bounds = array<i64: 2, 16>, scalar_prefetch = 0 : i64, scratch_operands = 0 : i64, tpu.core_type = #tpu.core_type<sc_vector_subcore>, window_params = [{transform_indices = #map}, {transform_indices = #map}, {transform_indices = #map1}, {transform_indices = #map1}, {transform_indices = #map}, {transform_indices = #map}]} {
    %mul3A = arith.constant 1 : i32
    %mul3A_0 = arith.muli %arg1, %mul3A : i32
    %add3A = arith.constant 0 : i32
    %add3A_1 = arith.addi %add3A, %mul3A_0 : i32
    %mul3A_2 = arith.constant 16 : i32
    %mul3A_3 = arith.muli %arg0, %mul3A_2 : i32
    %add3A_4 = arith.addi %add3A_1, %mul3A_3 : i32
    %mul3A_5 = arith.constant 1 : i32
    %mul3A_6 = arith.muli %add3A_4, %mul3A_5 : i32
    "tpu.region"() ({
      %run_scoped3A = memref.alloca() : memref<2x1x1x512xi32, #tpu.memory_space<vmem>>
      %run_scoped3A_7 = tpu.sem_alloc : memref<2x!tpu.dma_semaphore, #tpu.memory_space<semaphore_mem>>
      %run_scoped3A_8 = memref.alloca() : memref<2x1x1x512xi32, #tpu.memory_space<vmem>>
      %run_scoped3A_9 = tpu.sem_alloc : memref<2x!tpu.dma_semaphore, #tpu.memory_space<semaphore_mem>>
      %run_scoped3A_10 = memref.alloca() : memref<2x512x32xf32, #tpu.memory_space<vmem>>
      %run_scoped3A_11 = tpu.sem_alloc : memref<2x!tpu.dma_semaphore, #tpu.memory_space<semaphore_mem>>
      %run_scoped3A_12 = memref.alloca() : memref<2x512x32xf32, #tpu.memory_space<vmem>>
      %run_scoped3A_13 = tpu.sem_alloc : memref<2x!tpu.dma_semaphore, #tpu.memory_space<semaphore_mem>>
      %add3A_14 = arith.constant 0 : i32
      %add3A_15 = arith.addi %add3A_14, %mul3A_6 : i32
      %select_n3A = arith.constant true
      %select_n3A_16 = arith.constant 0 : i32
      %select_n3A_17 = arith.constant -1 : i32
      %select_n3A_18 = arith.select %select_n3A, %select_n3A_17, %select_n3A_16 : i32
      %eq3A = arith.constant -1 : i32
      %eq3A_19 = arith.cmpi eq, %select_n3A_18, %eq3A : i32
      %select_n3A_20 = arith.constant 25 : i32
      %select_n3A_21 = arith.select %eq3A_19, %select_n3A_20, %select_n3A_18 : i32
      %select_n3A_22 = arith.constant 0 : i32
      %select_n3A_23 = arith.constant -1 : i32
      %select_n3A_24 = arith.select %eq3A_19, %select_n3A_23, %select_n3A_22 : i32
      %eq3A_25 = arith.constant -1 : i32
      %eq3A_26 = arith.cmpi eq, %select_n3A_24, %eq3A_25 : i32
      %select_n3A_27 = arith.constant 0 : i32
      %select_n3A_28 = arith.select %eq3A_26, %select_n3A_27, %select_n3A_24 : i32
      %add3A_29 = arith.constant 0 : i32
      %add3A_30 = arith.addi %add3A_29, %mul3A_6 : i32
      %add3A_31 = arith.constant 0 : i32
      %add3A_32 = arith.addi %select_n3A_21, %add3A_31 : i32
      %select_n3A_33 = arith.constant true
      %select_n3A_34 = arith.constant 0 : i32
      %select_n3A_35 = arith.constant 1 : i32
      %select_n3A_36 = arith.select %select_n3A_33, %select_n3A_35, %select_n3A_34 : i32
      %eq3A_37 = arith.constant 26 : i32
      %eq3A_38 = arith.cmpi eq, %select_n3A_36, %eq3A_37 : i32
      %select_n3A_39 = arith.constant 0 : i32
      %select_n3A_40 = arith.select %eq3A_38, %select_n3A_39, %select_n3A_36 : i32
      %select_n3A_41 = arith.constant 0 : i32
      %select_n3A_42 = arith.constant 1 : i32
      %select_n3A_43 = arith.select %eq3A_38, %select_n3A_42, %select_n3A_41 : i32
      %eq3A_44 = arith.constant 1 : i32
      %eq3A_45 = arith.cmpi eq, %select_n3A_43, %eq3A_44 : i32
      %select_n3A_46 = arith.constant 0 : i32
      %select_n3A_47 = arith.select %eq3A_45, %select_n3A_46, %select_n3A_43 : i32
      %add3A_48 = arith.constant 0 : i32
      %add3A_49 = arith.addi %add3A_48, %mul3A_6 : i32
      %add3A_50 = arith.constant 0 : i32
      %add3A_51 = arith.addi %select_n3A_40, %add3A_50 : i32
      %add3A_52 = arith.constant 1 : i32
      %add3A_53 = arith.addi %select_n3A_40, %add3A_52 : i32
      %select_n3A_54 = arith.constant true
      %select_n3A_55 = arith.select %select_n3A_54, %add3A_53, %select_n3A_40 : i32
      %eq3A_56 = arith.constant 26 : i32
      %eq3A_57 = arith.cmpi eq, %select_n3A_55, %eq3A_56 : i32
      %select_n3A_58 = arith.constant 0 : i32
      %select_n3A_59 = arith.select %eq3A_57, %select_n3A_58, %select_n3A_55 : i32
      %select_n3A_60 = arith.constant 0 : i32
      %select_n3A_61 = arith.constant 1 : i32
      %select_n3A_62 = arith.select %eq3A_57, %select_n3A_61, %select_n3A_60 : i32
      %eq3A_63 = arith.constant 1 : i32
      %eq3A_64 = arith.cmpi eq, %select_n3A_62, %eq3A_63 : i32
      %select_n3A_65 = arith.constant 0 : i32
      %select_n3A_66 = arith.select %eq3A_64, %select_n3A_65, %select_n3A_62 : i32
      %add3A_67 = arith.constant 0 : i32
      %add3A_68 = arith.addi %add3A_67, %mul3A_6 : i32
      %add3A_69 = arith.constant 0 : i32
      %add3A_70 = arith.addi %select_n3A_59, %add3A_69 : i32
      "tpu.trace_start"() <{level = 10 : i32, message = "ep_initialize_0"}> : () -> ()
      %rem3A = arith.constant 0 : i32
      %rem3A_71 = arith.constant 2 : i32
      %rem3A_72 = arith.remui %rem3A, %rem3A_71 : i32
      %mul3A_73 = arith.constant 512 : i32
      %mul3A_74 = arith.muli %mul3A_73, %add3A_15 : i32
      %dma_start3A = arith.constant 0 : i32
      %dma_start3A_75 = arith.constant 0 : i32
      %dma_start3A_76 = arith.constant 0 : i32
      %dma_start3A_77 = tpu.memref_slice %run_scoped3A[%rem3A_72, %dma_start3A, %dma_start3A_75, %dma_start3A_76] : memref<2x1x1x512xi32, #tpu.memory_space<vmem>> -> memref<1x1x1x512xi32, #tpu.memory_space<vmem>>
      %dma_start3A_78 = tpu.memref_squeeze %dma_start3A_77 : memref<1x1x1x512xi32, #tpu.memory_space<vmem>> -> memref<1x1x512xi32, #tpu.memory_space<vmem>>
      %dma_start3A_79 = arith.constant 0 : i32
      %dma_start3A_80 = arith.constant 0 : i32
      %dma_start3A_81 = tpu.memref_slice %arg4[%dma_start3A_79, %dma_start3A_80, %mul3A_74] : memref<26x1x16384xi32, #tpu.memory_space<hbm>> -> memref<1x1x512xi32, #tpu.memory_space<hbm>>
      %dma_start3A_82 = tpu.memref_slice %run_scoped3A_7[%rem3A_72] : memref<2x!tpu.dma_semaphore, #tpu.memory_space<semaphore_mem>> -> memref<1x!tpu.dma_semaphore, #tpu.memory_space<semaphore_mem>>
      %dma_start3A_83 = tpu.memref_squeeze %dma_start3A_82 : memref<1x!tpu.dma_semaphore, #tpu.memory_space<semaphore_mem>> -> memref<!tpu.dma_semaphore, #tpu.memory_space<semaphore_mem>>
      %dma_start3A_84 = arith.constant 0 : i32
      %dma_start3A_85 = arith.constant 0 : i32
      %dma_start3A_86 = arith.constant 0 : i32
      %dma_start3A_87 = tpu.memref_slice %run_scoped3A[%rem3A_72, %dma_start3A_84, %dma_start3A_85, %dma_start3A_86] : memref<2x1x1x512xi32, #tpu.memory_space<vmem>> -> memref<1x1x1x512xi32, #tpu.memory_space<vmem>>
      %dma_start3A_88 = tpu.memref_squeeze %dma_start3A_87 : memref<1x1x1x512xi32, #tpu.memory_space<vmem>> -> memref<1x1x512xi32, #tpu.memory_space<vmem>>
      %dma_start3A_89 = arith.constant 0 : i32
      %dma_start3A_90 = arith.constant 0 : i32
      %dma_start3A_91 = tpu.memref_slice %arg4[%dma_start3A_89, %dma_start3A_90, %mul3A_74] : memref<26x1x16384xi32, #tpu.memory_space<hbm>> -> memref<1x1x512xi32, #tpu.memory_space<hbm>>
      tpu.enqueue_dma source(%dma_start3A_91 : memref<1x1x512xi32, #tpu.memory_space<hbm>>) target(%dma_start3A_88 : memref<1x1x512xi32, #tpu.memory_space<vmem>>) target_semaphore(%dma_start3A_83 : memref<!tpu.dma_semaphore, #tpu.memory_space<semaphore_mem>>)
      %add3A_92 = arith.constant 0 : i32
      %add3A_93 = arith.constant 1 : i32
      %add3A_94 = arith.addi %add3A_92, %add3A_93 : i32
      %select_n3A_95 = arith.constant true
      %select_n3A_96 = arith.constant 0 : i32
      %select_n3A_97 = arith.select %select_n3A_95, %add3A_94, %select_n3A_96 : i32
      %rem3A_98 = arith.constant 0 : i32
      %rem3A_99 = arith.constant 2 : i32
      %rem3A_100 = arith.remui %rem3A_98, %rem3A_99 : i32
      %mul3A_101 = arith.constant 512 : i32
      %mul3A_102 = arith.muli %mul3A_101, %add3A_15 : i32
      %dma_start3A_103 = arith.constant 0 : i32
      %dma_start3A_104 = arith.constant 0 : i32
      %dma_start3A_105 = arith.constant 0 : i32
      %dma_start3A_106 = tpu.memref_slice %run_scoped3A_8[%rem3A_100, %dma_start3A_103, %dma_start3A_104, %dma_start3A_105] : memref<2x1x1x512xi32, #tpu.memory_space<vmem>> -> memref<1x1x1x512xi32, #tpu.memory_space<vmem>>
      %dma_start3A_107 = tpu.memref_squeeze %dma_start3A_106 : memref<1x1x1x512xi32, #tpu.memory_space<vmem>> -> memref<1x1x512xi32, #tpu.memory_space<vmem>>
      %dma_start3A_108 = arith.constant 0 : i32
      %dma_start3A_109 = arith.constant 0 : i32
      %dma_start3A_110 = tpu.memref_slice %arg5[%dma_start3A_108, %dma_start3A_109, %mul3A_102] : memref<26x1x16384xi32, #tpu.memory_space<hbm>> -> memref<1x1x512xi32, #tpu.memory_space<hbm>>
      %dma_start3A_111 = tpu.memref_slice %run_scoped3A_9[%rem3A_100] : memref<2x!tpu.dma_semaphore, #tpu.memory_space<semaphore_mem>> -> memref<1x!tpu.dma_semaphore, #tpu.memory_space<semaphore_mem>>
      %dma_start3A_112 = tpu.memref_squeeze %dma_start3A_111 : memref<1x!tpu.dma_semaphore, #tpu.memory_space<semaphore_mem>> -> memref<!tpu.dma_semaphore, #tpu.memory_space<semaphore_mem>>
      %dma_start3A_113 = arith.constant 0 : i32
      %dma_start3A_114 = arith.constant 0 : i32
      %dma_start3A_115 = arith.constant 0 : i32
      %dma_start3A_116 = tpu.memref_slice %run_scoped3A_8[%rem3A_100, %dma_start3A_113, %dma_start3A_114, %dma_start3A_115] : memref<2x1x1x512xi32, #tpu.memory_space<vmem>> -> memref<1x1x1x512xi32, #tpu.memory_space<vmem>>
      %dma_start3A_117 = tpu.memref_squeeze %dma_start3A_116 : memref<1x1x1x512xi32, #tpu.memory_space<vmem>> -> memref<1x1x512xi32, #tpu.memory_space<vmem>>
      %dma_start3A_118 = arith.constant 0 : i32
      %dma_start3A_119 = arith.constant 0 : i32
      %dma_start3A_120 = tpu.memref_slice %arg5[%dma_start3A_118, %dma_start3A_119, %mul3A_102] : memref<26x1x16384xi32, #tpu.memory_space<hbm>> -> memref<1x1x512xi32, #tpu.memory_space<hbm>>
      tpu.enqueue_dma source(%dma_start3A_120 : memref<1x1x512xi32, #tpu.memory_space<hbm>>) target(%dma_start3A_117 : memref<1x1x512xi32, #tpu.memory_space<vmem>>) target_semaphore(%dma_start3A_112 : memref<!tpu.dma_semaphore, #tpu.memory_space<semaphore_mem>>)
      %add3A_121 = arith.constant 0 : i32
      %add3A_122 = arith.constant 1 : i32
      %add3A_123 = arith.addi %add3A_121, %add3A_122 : i32
      %select_n3A_124 = arith.constant true
      %select_n3A_125 = arith.constant 0 : i32
      %select_n3A_126 = arith.select %select_n3A_124, %add3A_123, %select_n3A_125 : i32
      "tpu.trace_stop"() : () -> ()
      %scan3A = arith.constant 0 : i32
      %scan3A_127 = arith.constant 0 : i32
      %scan3A_128 = arith.constant 0 : i32
      %scan3A_129 = arith.constant 0 : i32
      %scan3A_130 = arith.constant 0 : i32
      %scan3A_131 = arith.constant 0 : i32
      %scan3A_132 = arith.constant 0 : i32
      %scan3A_133 = arith.constant 0 : i32
      %scan3A_134 = arith.constant 0 : i32
      %scan3A_135 = arith.constant 26 : i32
      %scan3A_136 = arith.addi %scan3A_134, %scan3A_135 : i32
      %scan3A_137 = arith.constant 1 : i32
      %scan3A_138:10 = scf.for %scan3A_250 = %scan3A_134 to %scan3A_136 step %scan3A_137 iter_args(%scan3A_251 = %select_n3A_97, %scan3A_252 = %scan3A, %scan3A_253 = %select_n3A_126, %scan3A_254 = %scan3A_127, %scan3A_255 = %scan3A_128, %scan3A_256 = %scan3A_129, %scan3A_257 = %scan3A_130, %scan3A_258 = %scan3A_131, %scan3A_259 = %scan3A_132, %scan3A_260 = %scan3A_133) -> (i32, i32, i32, i32, i32, i32, i32, i32, i32, i32)  : i32 {
        %eq3A_261 = arith.constant 0 : i32
        %eq3A_262 = arith.cmpi eq, %scan3A_250, %eq3A_261 : i32
        %eq3A_263 = arith.constant 25 : i32
        %eq3A_264 = arith.cmpi eq, %scan3A_250, %eq3A_263 : i32
        %add3A_265 = arith.constant 0 : i32
        %add3A_266 = arith.addi %add3A_265, %mul3A_6 : i32
        %add3A_267 = arith.constant 0 : i32
        %add3A_268 = arith.addi %scan3A_260, %add3A_267 : i32
        %sub3A_269 = arith.constant 1 : i32
        %sub3A_270 = arith.subi %scan3A_260, %sub3A_269 : i32
        %select_n3A_271 = arith.constant true
        %select_n3A_272 = arith.select %select_n3A_271, %sub3A_270, %scan3A_260 : i32
        %eq3A_273 = arith.constant -1 : i32
        %eq3A_274 = arith.cmpi eq, %select_n3A_272, %eq3A_273 : i32
        %select_n3A_275 = arith.constant 25 : i32
        %select_n3A_276 = arith.select %eq3A_274, %select_n3A_275, %select_n3A_272 : i32
        %select_n3A_277 = arith.constant 0 : i32
        %select_n3A_278 = arith.constant -1 : i32
        %select_n3A_279 = arith.select %eq3A_274, %select_n3A_278, %select_n3A_277 : i32
        %eq3A_280 = arith.constant -1 : i32
        %eq3A_281 = arith.cmpi eq, %select_n3A_279, %eq3A_280 : i32
        %select_n3A_282 = arith.constant 0 : i32
        %select_n3A_283 = arith.select %eq3A_281, %select_n3A_282, %select_n3A_279 : i32
        %add3A_284 = arith.constant 0 : i32
        %add3A_285 = arith.addi %add3A_284, %mul3A_6 : i32
        %add3A_286 = arith.constant 0 : i32
        %add3A_287 = arith.addi %select_n3A_276, %add3A_286 : i32
        %add3A_288 = arith.constant 1 : i32
        %add3A_289 = arith.addi %scan3A_260, %add3A_288 : i32
        %select_n3A_290 = arith.constant true
        %select_n3A_291 = arith.select %select_n3A_290, %add3A_289, %scan3A_260 : i32
        %eq3A_292 = arith.constant 26 : i32
        %eq3A_293 = arith.cmpi eq, %select_n3A_291, %eq3A_292 : i32
        %select_n3A_294 = arith.constant 0 : i32
        %select_n3A_295 = arith.select %eq3A_293, %select_n3A_294, %select_n3A_291 : i32
        %select_n3A_296 = arith.constant 0 : i32
        %select_n3A_297 = arith.constant 1 : i32
        %select_n3A_298 = arith.select %eq3A_293, %select_n3A_297, %select_n3A_296 : i32
        %eq3A_299 = arith.constant 1 : i32
        %eq3A_300 = arith.cmpi eq, %select_n3A_298, %eq3A_299 : i32
        %select_n3A_301 = arith.constant 0 : i32
        %select_n3A_302 = arith.select %eq3A_300, %select_n3A_301, %select_n3A_298 : i32
        %add3A_303 = arith.constant 0 : i32
        %add3A_304 = arith.addi %add3A_303, %mul3A_6 : i32
        %add3A_305 = arith.constant 0 : i32
        %add3A_306 = arith.addi %select_n3A_295, %add3A_305 : i32
        %add3A_307 = arith.constant 1 : i32
        %add3A_308 = arith.addi %select_n3A_295, %add3A_307 : i32
        %select_n3A_309 = arith.constant true
        %select_n3A_310 = arith.select %select_n3A_309, %add3A_308, %select_n3A_295 : i32
        %eq3A_311 = arith.constant 26 : i32
        %eq3A_312 = arith.cmpi eq, %select_n3A_310, %eq3A_311 : i32
        %select_n3A_313 = arith.constant 0 : i32
        %select_n3A_314 = arith.select %eq3A_312, %select_n3A_313, %select_n3A_310 : i32
        %select_n3A_315 = arith.constant 0 : i32
        %select_n3A_316 = arith.constant 1 : i32
        %select_n3A_317 = arith.select %eq3A_312, %select_n3A_316, %select_n3A_315 : i32
        %eq3A_318 = arith.constant 1 : i32
        %eq3A_319 = arith.cmpi eq, %select_n3A_317, %eq3A_318 : i32
        %select_n3A_320 = arith.constant 0 : i32
        %select_n3A_321 = arith.select %eq3A_319, %select_n3A_320, %select_n3A_317 : i32
        %add3A_322 = arith.constant 0 : i32
        %add3A_323 = arith.addi %add3A_322, %mul3A_6 : i32
        %add3A_324 = arith.constant 0 : i32
        %add3A_325 = arith.addi %select_n3A_314, %add3A_324 : i32
        %ne3A = arith.cmpi ne, %add3A_268, %add3A_306 : i32
        %ne3A_326 = arith.cmpi ne, %add3A_266, %add3A_304 : i32
        %or3A = arith.constant false
        %or3A_327 = arith.ori %or3A, %ne3A : i1
        %or3A_328 = arith.constant false
        %or3A_329 = arith.ori %or3A_327, %or3A_328 : i1
        %or3A_330 = arith.ori %or3A_329, %ne3A_326 : i1
        %ge3A = arith.constant 25 : i32
        %ge3A_331 = arith.cmpi sge, %scan3A_250, %ge3A : i32
        %not3A = arith.constant true
        %not3A_332 = arith.xori %ge3A_331, %not3A : i1
        %and3A = arith.andi %or3A_330, %not3A_332 : i1
        %convert_element_type3A = arith.extui %and3A : i1 to i32
        %cond3A = arith.constant 0 : i32
        %cond3A_333 = arith.cmpi ne, %convert_element_type3A, %cond3A : i32
        scf.if %cond3A_333 {
          "tpu.trace_start"() <{level = 10 : i32, message = "ep_copy_in"}> : () -> ()
          %rem3A_585 = arith.constant 2 : i32
          %rem3A_586 = arith.remui %scan3A_251, %rem3A_585 : i32
          %mul3A_587 = arith.constant 1 : i32
          %mul3A_588 = arith.muli %mul3A_587, %add3A_306 : i32
          %mul3A_589 = arith.constant 512 : i32
          %mul3A_590 = arith.muli %mul3A_589, %add3A_304 : i32
          %dma_start3A_591 = arith.constant 0 : i32
          %dma_start3A_592 = arith.constant 0 : i32
          %dma_start3A_593 = arith.constant 0 : i32
          %dma_start3A_594 = tpu.memref_slice %run_scoped3A[%rem3A_586, %dma_start3A_591, %dma_start3A_592, %dma_start3A_593] : memref<2x1x1x512xi32, #tpu.memory_space<vmem>> -> memref<1x1x1x512xi32, #tpu.memory_space<vmem>>
          %dma_start3A_595 = tpu.memref_squeeze %dma_start3A_594 : memref<1x1x1x512xi32, #tpu.memory_space<vmem>> -> memref<1x1x512xi32, #tpu.memory_space<vmem>>
          %dma_start3A_596 = arith.constant 0 : i32
          %dma_start3A_597 = tpu.memref_slice %arg4[%mul3A_588, %dma_start3A_596, %mul3A_590] : memref<26x1x16384xi32, #tpu.memory_space<hbm>> -> memref<1x1x512xi32, #tpu.memory_space<hbm>>
          %dma_start3A_598 = tpu.memref_slice %run_scoped3A_7[%rem3A_586] : memref<2x!tpu.dma_semaphore, #tpu.memory_space<semaphore_mem>> -> memref<1x!tpu.dma_semaphore, #tpu.memory_space<semaphore_mem>>
          %dma_start3A_599 = tpu.memref_squeeze %dma_start3A_598 : memref<1x!tpu.dma_semaphore, #tpu.memory_space<semaphore_mem>> -> memref<!tpu.dma_semaphore, #tpu.memory_space<semaphore_mem>>
          %dma_start3A_600 = arith.constant 0 : i32
          %dma_start3A_601 = arith.constant 0 : i32
          %dma_start3A_602 = arith.constant 0 : i32
          %dma_start3A_603 = tpu.memref_slice %run_scoped3A[%rem3A_586, %dma_start3A_600, %dma_start3A_601, %dma_start3A_602] : memref<2x1x1x512xi32, #tpu.memory_space<vmem>> -> memref<1x1x1x512xi32, #tpu.memory_space<vmem>>
          %dma_start3A_604 = tpu.memref_squeeze %dma_start3A_603 : memref<1x1x1x512xi32, #tpu.memory_space<vmem>> -> memref<1x1x512xi32, #tpu.memory_space<vmem>>
          %dma_start3A_605 = arith.constant 0 : i32
          %dma_start3A_606 = tpu.memref_slice %arg4[%mul3A_588, %dma_start3A_605, %mul3A_590] : memref<26x1x16384xi32, #tpu.memory_space<hbm>> -> memref<1x1x512xi32, #tpu.memory_space<hbm>>
          tpu.enqueue_dma source(%dma_start3A_606 : memref<1x1x512xi32, #tpu.memory_space<hbm>>) target(%dma_start3A_604 : memref<1x1x512xi32, #tpu.memory_space<vmem>>) target_semaphore(%dma_start3A_599 : memref<!tpu.dma_semaphore, #tpu.memory_space<semaphore_mem>>)
          "tpu.trace_stop"() : () -> ()
        } else {
        }
        %and3A_334 = arith.constant true
        %and3A_335 = arith.andi %and3A, %and3A_334 : i1
        %add3A_336 = arith.constant 1 : i32
        %add3A_337 = arith.addi %scan3A_251, %add3A_336 : i32
        %select_n3A_338 = arith.select %and3A_335, %add3A_337, %scan3A_251 : i32
        %ne3A_339 = arith.cmpi ne, %add3A_268, %add3A_306 : i32
        %ne3A_340 = arith.cmpi ne, %add3A_266, %add3A_304 : i32
        %or3A_341 = arith.constant false
        %or3A_342 = arith.ori %or3A_341, %ne3A_339 : i1
        %or3A_343 = arith.constant false
        %or3A_344 = arith.ori %or3A_342, %or3A_343 : i1
        %or3A_345 = arith.ori %or3A_344, %ne3A_340 : i1
        %ge3A_346 = arith.constant 25 : i32
        %ge3A_347 = arith.cmpi sge, %scan3A_250, %ge3A_346 : i32
        %not3A_348 = arith.constant true
        %not3A_349 = arith.xori %ge3A_347, %not3A_348 : i1
        %and3A_350 = arith.andi %or3A_345, %not3A_349 : i1
        %convert_element_type3A_351 = arith.extui %and3A_350 : i1 to i32
        %cond3A_352 = arith.constant 0 : i32
        %cond3A_353 = arith.cmpi ne, %convert_element_type3A_351, %cond3A_352 : i32
        scf.if %cond3A_353 {
          "tpu.trace_start"() <{level = 10 : i32, message = "ep_copy_in"}> : () -> ()
          %rem3A_585 = arith.constant 2 : i32
          %rem3A_586 = arith.remui %scan3A_253, %rem3A_585 : i32
          %mul3A_587 = arith.constant 1 : i32
          %mul3A_588 = arith.muli %mul3A_587, %add3A_306 : i32
          %mul3A_589 = arith.constant 512 : i32
          %mul3A_590 = arith.muli %mul3A_589, %add3A_304 : i32
          %dma_start3A_591 = arith.constant 0 : i32
          %dma_start3A_592 = arith.constant 0 : i32
          %dma_start3A_593 = arith.constant 0 : i32
          %dma_start3A_594 = tpu.memref_slice %run_scoped3A_8[%rem3A_586, %dma_start3A_591, %dma_start3A_592, %dma_start3A_593] : memref<2x1x1x512xi32, #tpu.memory_space<vmem>> -> memref<1x1x1x512xi32, #tpu.memory_space<vmem>>
          %dma_start3A_595 = tpu.memref_squeeze %dma_start3A_594 : memref<1x1x1x512xi32, #tpu.memory_space<vmem>> -> memref<1x1x512xi32, #tpu.memory_space<vmem>>
          %dma_start3A_596 = arith.constant 0 : i32
          %dma_start3A_597 = tpu.memref_slice %arg5[%mul3A_588, %dma_start3A_596, %mul3A_590] : memref<26x1x16384xi32, #tpu.memory_space<hbm>> -> memref<1x1x512xi32, #tpu.memory_space<hbm>>
          %dma_start3A_598 = tpu.memref_slice %run_scoped3A_9[%rem3A_586] : memref<2x!tpu.dma_semaphore, #tpu.memory_space<semaphore_mem>> -> memref<1x!tpu.dma_semaphore, #tpu.memory_space<semaphore_mem>>
          %dma_start3A_599 = tpu.memref_squeeze %dma_start3A_598 : memref<1x!tpu.dma_semaphore, #tpu.memory_space<semaphore_mem>> -> memref<!tpu.dma_semaphore, #tpu.memory_space<semaphore_mem>>
          %dma_start3A_600 = arith.constant 0 : i32
          %dma_start3A_601 = arith.constant 0 : i32
          %dma_start3A_602 = arith.constant 0 : i32
          %dma_start3A_603 = tpu.memref_slice %run_scoped3A_8[%rem3A_586, %dma_start3A_600, %dma_start3A_601, %dma_start3A_602] : memref<2x1x1x512xi32, #tpu.memory_space<vmem>> -> memref<1x1x1x512xi32, #tpu.memory_space<vmem>>
          %dma_start3A_604 = tpu.memref_squeeze %dma_start3A_603 : memref<1x1x1x512xi32, #tpu.memory_space<vmem>> -> memref<1x1x512xi32, #tpu.memory_space<vmem>>
          %dma_start3A_605 = arith.constant 0 : i32
          %dma_start3A_606 = tpu.memref_slice %arg5[%mul3A_588, %dma_start3A_605, %mul3A_590] : memref<26x1x16384xi32, #tpu.memory_space<hbm>> -> memref<1x1x512xi32, #tpu.memory_space<hbm>>
          tpu.enqueue_dma source(%dma_start3A_606 : memref<1x1x512xi32, #tpu.memory_space<hbm>>) target(%dma_start3A_604 : memref<1x1x512xi32, #tpu.memory_space<vmem>>) target_semaphore(%dma_start3A_599 : memref<!tpu.dma_semaphore, #tpu.memory_space<semaphore_mem>>)
          "tpu.trace_stop"() : () -> ()
        } else {
        }
        %and3A_354 = arith.constant true
        %and3A_355 = arith.andi %and3A_350, %and3A_354 : i1
        %add3A_356 = arith.constant 1 : i32
        %add3A_357 = arith.addi %scan3A_253, %add3A_356 : i32
        %select_n3A_358 = arith.select %and3A_355, %add3A_357, %scan3A_253 : i32
        %ne3A_359 = arith.cmpi ne, %add3A_266, %add3A_304 : i32
        %ne3A_360 = arith.cmpi ne, %add3A_268, %add3A_306 : i32
        %or3A_361 = arith.constant false
        %or3A_362 = arith.ori %or3A_361, %ne3A_359 : i1
        %or3A_363 = arith.ori %or3A_362, %ne3A_360 : i1
        %ge3A_364 = arith.constant 25 : i32
        %ge3A_365 = arith.cmpi sge, %scan3A_250, %ge3A_364 : i32
        %not3A_366 = arith.constant true
        %not3A_367 = arith.xori %ge3A_365, %not3A_366 : i1
        %and3A_368 = arith.andi %or3A_363, %not3A_367 : i1
        %ne3A_369 = arith.cmpi ne, %add3A_266, %add3A_304 : i32
        %ne3A_370 = arith.cmpi ne, %add3A_268, %add3A_306 : i32
        %or3A_371 = arith.constant false
        %or3A_372 = arith.ori %or3A_371, %ne3A_369 : i1
        %or3A_373 = arith.ori %or3A_372, %ne3A_370 : i1
        %ge3A_374 = arith.constant 25 : i32
        %ge3A_375 = arith.cmpi sge, %scan3A_250, %ge3A_374 : i32
        %not3A_376 = arith.constant true
        %not3A_377 = arith.xori %ge3A_375, %not3A_376 : i1
        %and3A_378 = arith.andi %or3A_373, %not3A_377 : i1
        %ne3A_379 = arith.cmpi ne, %add3A_268, %add3A_287 : i32
        %ne3A_380 = arith.cmpi ne, %add3A_266, %add3A_285 : i32
        %or3A_381 = arith.constant false
        %or3A_382 = arith.ori %or3A_381, %ne3A_379 : i1
        %or3A_383 = arith.constant false
        %or3A_384 = arith.ori %or3A_382, %or3A_383 : i1
        %or3A_385 = arith.ori %or3A_384, %ne3A_380 : i1
        %or3A_386 = arith.ori %or3A_385, %eq3A_262 : i1
        %convert_element_type3A_387 = arith.extui %or3A_386 : i1 to i32
        %cond3A_388 = arith.constant 0 : i32
        %cond3A_389 = arith.cmpi ne, %convert_element_type3A_387, %cond3A_388 : i32
        scf.if %cond3A_389 {
          "tpu.trace_start"() <{level = 10 : i32, message = "ep_wait_in"}> : () -> ()
          %mul3A_585 = arith.constant 1 : i32
          %mul3A_586 = arith.muli %mul3A_585, %add3A_268 : i32
          %mul3A_587 = arith.constant 512 : i32
          %mul3A_588 = arith.muli %mul3A_587, %add3A_266 : i32
          %rem3A_589 = arith.constant 2 : i32
          %rem3A_590 = arith.remui %scan3A_252, %rem3A_589 : i32
          %dma_wait3A_591 = arith.constant 0 : i32
          %dma_wait3A_592 = arith.constant 0 : i32
          %dma_wait3A_593 = arith.constant 0 : i32
          %dma_wait3A_594 = tpu.memref_slice %run_scoped3A[%rem3A_590, %dma_wait3A_591, %dma_wait3A_592, %dma_wait3A_593] : memref<2x1x1x512xi32, #tpu.memory_space<vmem>> -> memref<1x1x1x512xi32, #tpu.memory_space<vmem>>
          %dma_wait3A_595 = tpu.memref_squeeze %dma_wait3A_594 : memref<1x1x1x512xi32, #tpu.memory_space<vmem>> -> memref<1x1x512xi32, #tpu.memory_space<vmem>>
          %dma_wait3A_596 = arith.constant 0 : i32
          %dma_wait3A_597 = tpu.memref_slice %arg4[%mul3A_586, %dma_wait3A_596, %mul3A_588] : memref<26x1x16384xi32, #tpu.memory_space<hbm>> -> memref<1x1x512xi32, #tpu.memory_space<hbm>>
          %dma_wait3A_598 = tpu.memref_slice %run_scoped3A_7[%rem3A_590] : memref<2x!tpu.dma_semaphore, #tpu.memory_space<semaphore_mem>> -> memref<1x!tpu.dma_semaphore, #tpu.memory_space<semaphore_mem>>
          %dma_wait3A_599 = tpu.memref_squeeze %dma_wait3A_598 : memref<1x!tpu.dma_semaphore, #tpu.memory_space<semaphore_mem>> -> memref<!tpu.dma_semaphore, #tpu.memory_space<semaphore_mem>>
          %dma_wait3A_600 = arith.constant 0 : i32
          %dma_wait3A_601 = arith.constant 0 : i32
          %dma_wait3A_602 = arith.constant 0 : i32
          %dma_wait3A_603 = tpu.memref_slice %run_scoped3A[%rem3A_590, %dma_wait3A_600, %dma_wait3A_601, %dma_wait3A_602] : memref<2x1x1x512xi32, #tpu.memory_space<vmem>> -> memref<1x1x1x512xi32, #tpu.memory_space<vmem>>
          %dma_wait3A_604 = tpu.memref_squeeze %dma_wait3A_603 : memref<1x1x1x512xi32, #tpu.memory_space<vmem>> -> memref<1x1x512xi32, #tpu.memory_space<vmem>>
          %dma_wait3A_605 = arith.constant 0 : i32
          %dma_wait3A_606 = tpu.memref_slice %arg4[%mul3A_586, %dma_wait3A_605, %mul3A_588] : memref<26x1x16384xi32, #tpu.memory_space<hbm>> -> memref<1x1x512xi32, #tpu.memory_space<hbm>>
          tpu.wait_dma2 semaphore(%dma_wait3A_599 : memref<!tpu.dma_semaphore, #tpu.memory_space<semaphore_mem>>) src(%dma_wait3A_606 : memref<1x1x512xi32, #tpu.memory_space<hbm>>) dst(%dma_wait3A_604 : memref<1x1x512xi32, #tpu.memory_space<vmem>>)
          "tpu.trace_stop"() : () -> ()
        } else {
        }
        %ne3A_390 = arith.cmpi ne, %add3A_268, %add3A_287 : i32
        %ne3A_391 = arith.cmpi ne, %add3A_266, %add3A_285 : i32
        %or3A_392 = arith.constant false
        %or3A_393 = arith.ori %or3A_392, %ne3A_390 : i1
        %or3A_394 = arith.constant false
        %or3A_395 = arith.ori %or3A_393, %or3A_394 : i1
        %or3A_396 = arith.ori %or3A_395, %ne3A_391 : i1
        %or3A_397 = arith.ori %or3A_396, %eq3A_262 : i1
        %convert_element_type3A_398 = arith.extui %or3A_397 : i1 to i32
        %cond3A_399 = arith.constant 0 : i32
        %cond3A_400 = arith.cmpi ne, %convert_element_type3A_398, %cond3A_399 : i32
        scf.if %cond3A_400 {
          "tpu.trace_start"() <{level = 10 : i32, message = "ep_wait_in"}> : () -> ()
          %mul3A_585 = arith.constant 1 : i32
          %mul3A_586 = arith.muli %mul3A_585, %add3A_268 : i32
          %mul3A_587 = arith.constant 512 : i32
          %mul3A_588 = arith.muli %mul3A_587, %add3A_266 : i32
          %rem3A_589 = arith.constant 2 : i32
          %rem3A_590 = arith.remui %scan3A_254, %rem3A_589 : i32
          %dma_wait3A_591 = arith.constant 0 : i32
          %dma_wait3A_592 = arith.constant 0 : i32
          %dma_wait3A_593 = arith.constant 0 : i32
          %dma_wait3A_594 = tpu.memref_slice %run_scoped3A_8[%rem3A_590, %dma_wait3A_591, %dma_wait3A_592, %dma_wait3A_593] : memref<2x1x1x512xi32, #tpu.memory_space<vmem>> -> memref<1x1x1x512xi32, #tpu.memory_space<vmem>>
          %dma_wait3A_595 = tpu.memref_squeeze %dma_wait3A_594 : memref<1x1x1x512xi32, #tpu.memory_space<vmem>> -> memref<1x1x512xi32, #tpu.memory_space<vmem>>
          %dma_wait3A_596 = arith.constant 0 : i32
          %dma_wait3A_597 = tpu.memref_slice %arg5[%mul3A_586, %dma_wait3A_596, %mul3A_588] : memref<26x1x16384xi32, #tpu.memory_space<hbm>> -> memref<1x1x512xi32, #tpu.memory_space<hbm>>
          %dma_wait3A_598 = tpu.memref_slice %run_scoped3A_9[%rem3A_590] : memref<2x!tpu.dma_semaphore, #tpu.memory_space<semaphore_mem>> -> memref<1x!tpu.dma_semaphore, #tpu.memory_space<semaphore_mem>>
          %dma_wait3A_599 = tpu.memref_squeeze %dma_wait3A_598 : memref<1x!tpu.dma_semaphore, #tpu.memory_space<semaphore_mem>> -> memref<!tpu.dma_semaphore, #tpu.memory_space<semaphore_mem>>
          %dma_wait3A_600 = arith.constant 0 : i32
          %dma_wait3A_601 = arith.constant 0 : i32
          %dma_wait3A_602 = arith.constant 0 : i32
          %dma_wait3A_603 = tpu.memref_slice %run_scoped3A_8[%rem3A_590, %dma_wait3A_600, %dma_wait3A_601, %dma_wait3A_602] : memref<2x1x1x512xi32, #tpu.memory_space<vmem>> -> memref<1x1x1x512xi32, #tpu.memory_space<vmem>>
          %dma_wait3A_604 = tpu.memref_squeeze %dma_wait3A_603 : memref<1x1x1x512xi32, #tpu.memory_space<vmem>> -> memref<1x1x512xi32, #tpu.memory_space<vmem>>
          %dma_wait3A_605 = arith.constant 0 : i32
          %dma_wait3A_606 = tpu.memref_slice %arg5[%mul3A_586, %dma_wait3A_605, %mul3A_588] : memref<26x1x16384xi32, #tpu.memory_space<hbm>> -> memref<1x1x512xi32, #tpu.memory_space<hbm>>
          tpu.wait_dma2 semaphore(%dma_wait3A_599 : memref<!tpu.dma_semaphore, #tpu.memory_space<semaphore_mem>>) src(%dma_wait3A_606 : memref<1x1x512xi32, #tpu.memory_space<hbm>>) dst(%dma_wait3A_604 : memref<1x1x512xi32, #tpu.memory_space<vmem>>)
          "tpu.trace_stop"() : () -> ()
        } else {
        }
        %ne3A_401 = arith.cmpi ne, %add3A_266, %add3A_285 : i32
        %ne3A_402 = arith.cmpi ne, %add3A_268, %add3A_287 : i32
        %or3A_403 = arith.constant false
        %or3A_404 = arith.ori %or3A_403, %ne3A_401 : i1
        %or3A_405 = arith.ori %or3A_404, %ne3A_402 : i1
        %or3A_406 = arith.ori %or3A_405, %eq3A_262 : i1
        %convert_element_type3A_407 = arith.extui %or3A_406 : i1 to i32
        %cond3A_408 = arith.constant 0 : i32
        %cond3A_409 = arith.cmpi ne, %convert_element_type3A_407, %cond3A_408 : i32
        scf.if %cond3A_409 {
        } else {
        }
        %ne3A_410 = arith.cmpi ne, %add3A_266, %add3A_285 : i32
        %ne3A_411 = arith.cmpi ne, %add3A_268, %add3A_287 : i32
        %or3A_412 = arith.constant false
        %or3A_413 = arith.ori %or3A_412, %ne3A_410 : i1
        %or3A_414 = arith.ori %or3A_413, %ne3A_411 : i1
        %or3A_415 = arith.ori %or3A_414, %eq3A_262 : i1
        %convert_element_type3A_416 = arith.extui %or3A_415 : i1 to i32
        %cond3A_417 = arith.constant 0 : i32
        %cond3A_418 = arith.cmpi ne, %convert_element_type3A_416, %cond3A_417 : i32
        scf.if %cond3A_418 {
        } else {
        }
        %rem3A_419 = arith.constant 2 : i32
        %rem3A_420 = arith.remui %scan3A_252, %rem3A_419 : i32
        %rem3A_421 = arith.constant 2 : i32
        %rem3A_422 = arith.remui %scan3A_254, %rem3A_421 : i32
        %rem3A_423 = arith.constant 2 : i32
        %rem3A_424 = arith.remui %scan3A_255, %rem3A_423 : i32
        %rem3A_425 = arith.constant 2 : i32
        %rem3A_426 = arith.remui %scan3A_257, %rem3A_425 : i32
        %run_scoped3A_427 = arith.constant 0 : i32
        %run_scoped3A_428 = arith.constant 0 : i32
        "tpu.trace_start"() <{level = 10 : i32, message = "ep_run_kernel"}> : () -> ()
        "tpu.region"() ({
          %run_scoped3A_585 = tpu.sem_alloc : memref<!tpu.dma_semaphore, #tpu.memory_space<semaphore_mem>>
          %dma_start3A_586 = arith.constant 0 : i32
          %dma_start3A_587 = arith.constant 0 : i32
          %dma_start3A_588 = tpu.memref_slice %run_scoped3A_10[%rem3A_424, %dma_start3A_586, %dma_start3A_587] : memref<2x512x32xf32, #tpu.memory_space<vmem>> -> memref<1x512x32xf32, #tpu.memory_space<vmem>>
          %dma_start3A_589 = tpu.memref_squeeze %dma_start3A_588 : memref<1x512x32xf32, #tpu.memory_space<vmem>> -> memref<512x32xf32, #tpu.memory_space<vmem>>
          %dma_start3A_590 = arith.constant 0 : i32
          %dma_start3A_591 = arith.constant 0 : i32
          %dma_start3A_592 = arith.constant 0 : i32
          %dma_start3A_593 = tpu.memref_slice %run_scoped3A[%rem3A_420, %dma_start3A_590, %dma_start3A_591, %dma_start3A_592] : memref<2x1x1x512xi32, #tpu.memory_space<vmem>> -> memref<1x1x1x512xi32, #tpu.memory_space<vmem>>
          %dma_start3A_594 = tpu.memref_squeeze %dma_start3A_593 : memref<1x1x1x512xi32, #tpu.memory_space<vmem>> -> memref<1x1x512xi32, #tpu.memory_space<vmem>>
          %dma_start3A_595 = arith.constant 0 : i32
          %dma_start3A_596 = tpu.memref_slice %dma_start3A_594[%run_scoped3A_427, %run_scoped3A_428, %dma_start3A_595] : memref<1x1x512xi32, #tpu.memory_space<vmem>> -> memref<1x1x512xi32, #tpu.memory_space<vmem>>
          %dma_start3A_597 = tpu.memref_squeeze %dma_start3A_596 : memref<1x1x512xi32, #tpu.memory_space<vmem>> -> memref<512xi32, #tpu.memory_space<vmem>>
          %dma_start3A_598 = arith.constant 0 : i32
          %dma_start3A_599 = arith.constant 0 : i32
          %dma_start3A_600 = tpu.memref_slice %arg2[%dma_start3A_598, %dma_start3A_599] : memref<2600000x32xf32, #tpu.memory_space<hbm>> -> memref<2600000x32xf32, #tpu.memory_space<hbm>>
          tpu.enqueue_indirect_dma source(%dma_start3A_600 : memref<2600000x32xf32, #tpu.memory_space<hbm>>) target(%dma_start3A_589 : memref<512x32xf32, #tpu.memory_space<vmem>>) offsets(%dma_start3A_597 : memref<512xi32, #tpu.memory_space<vmem>>) semaphore(%run_scoped3A_585 : memref<!tpu.dma_semaphore, #tpu.memory_space<semaphore_mem>>)
          %dma_wait3A_601 = arith.constant 0 : i32
          %dma_wait3A_602 = arith.constant 0 : i32
          %dma_wait3A_603 = tpu.memref_slice %run_scoped3A_10[%rem3A_424, %dma_wait3A_601, %dma_wait3A_602] : memref<2x512x32xf32, #tpu.memory_space<vmem>> -> memref<1x512x32xf32, #tpu.memory_space<vmem>>
          %dma_wait3A_604 = tpu.memref_squeeze %dma_wait3A_603 : memref<1x512x32xf32, #tpu.memory_space<vmem>> -> memref<512x32xf32, #tpu.memory_space<vmem>>
          %dma_wait3A_605 = arith.constant 0 : i32
          %dma_wait3A_606 = arith.constant 0 : i32
          %dma_wait3A_607 = arith.constant 0 : i32
          %dma_wait3A_608 = tpu.memref_slice %run_scoped3A[%rem3A_420, %dma_wait3A_605, %dma_wait3A_606, %dma_wait3A_607] : memref<2x1x1x512xi32, #tpu.memory_space<vmem>> -> memref<1x1x1x512xi32, #tpu.memory_space<vmem>>
          %dma_wait3A_609 = tpu.memref_squeeze %dma_wait3A_608 : memref<1x1x1x512xi32, #tpu.memory_space<vmem>> -> memref<1x1x512xi32, #tpu.memory_space<vmem>>
          %dma_wait3A_610 = arith.constant 0 : i32
          %dma_wait3A_611 = tpu.memref_slice %dma_wait3A_609[%run_scoped3A_427, %run_scoped3A_428, %dma_wait3A_610] : memref<1x1x512xi32, #tpu.memory_space<vmem>> -> memref<1x1x512xi32, #tpu.memory_space<vmem>>
          %dma_wait3A_612 = tpu.memref_squeeze %dma_wait3A_611 : memref<1x1x512xi32, #tpu.memory_space<vmem>> -> memref<512xi32, #tpu.memory_space<vmem>>
          %dma_wait3A_613 = arith.constant 0 : i32
          %dma_wait3A_614 = arith.constant 0 : i32
          %dma_wait3A_615 = tpu.memref_slice %arg2[%dma_wait3A_613, %dma_wait3A_614] : memref<2600000x32xf32, #tpu.memory_space<hbm>> -> memref<2600000x32xf32, #tpu.memory_space<hbm>>
          tpu.wait_indirect_dma semaphore(%run_scoped3A_585 : memref<!tpu.dma_semaphore, #tpu.memory_space<semaphore_mem>>) src(%dma_wait3A_615 : memref<2600000x32xf32, #tpu.memory_space<hbm>>) dst(%dma_wait3A_604 : memref<512x32xf32, #tpu.memory_space<vmem>>)
          tpu.yield
        }) : () -> ()
        %run_scoped3A_429 = arith.constant 0 : i32
        %run_scoped3A_430 = arith.constant 0 : i32
        "tpu.region"() ({
          %run_scoped3A_585 = tpu.sem_alloc : memref<!tpu.dma_semaphore, #tpu.memory_space<semaphore_mem>>
          %dma_start3A_586 = arith.constant 0 : i32
          %dma_start3A_587 = arith.constant 0 : i32
          %dma_start3A_588 = tpu.memref_slice %run_scoped3A_12[%rem3A_426, %dma_start3A_586, %dma_start3A_587] : memref<2x512x32xf32, #tpu.memory_space<vmem>> -> memref<1x512x32xf32, #tpu.memory_space<vmem>>
          %dma_start3A_589 = tpu.memref_squeeze %dma_start3A_588 : memref<1x512x32xf32, #tpu.memory_space<vmem>> -> memref<512x32xf32, #tpu.memory_space<vmem>>
          %dma_start3A_590 = arith.constant 0 : i32
          %dma_start3A_591 = arith.constant 0 : i32
          %dma_start3A_592 = arith.constant 0 : i32
          %dma_start3A_593 = tpu.memref_slice %run_scoped3A_8[%rem3A_422, %dma_start3A_590, %dma_start3A_591, %dma_start3A_592] : memref<2x1x1x512xi32, #tpu.memory_space<vmem>> -> memref<1x1x1x512xi32, #tpu.memory_space<vmem>>
          %dma_start3A_594 = tpu.memref_squeeze %dma_start3A_593 : memref<1x1x1x512xi32, #tpu.memory_space<vmem>> -> memref<1x1x512xi32, #tpu.memory_space<vmem>>
          %dma_start3A_595 = arith.constant 0 : i32
          %dma_start3A_596 = tpu.memref_slice %dma_start3A_594[%run_scoped3A_429, %run_scoped3A_430, %dma_start3A_595] : memref<1x1x512xi32, #tpu.memory_space<vmem>> -> memref<1x1x512xi32, #tpu.memory_space<vmem>>
          %dma_start3A_597 = tpu.memref_squeeze %dma_start3A_596 : memref<1x1x512xi32, #tpu.memory_space<vmem>> -> memref<512xi32, #tpu.memory_space<vmem>>
          %dma_start3A_598 = arith.constant 0 : i32
          %dma_start3A_599 = arith.constant 0 : i32
          %dma_start3A_600 = tpu.memref_slice %arg3[%dma_start3A_598, %dma_start3A_599] : memref<81250x32xf32, #tpu.memory_space<hbm>> -> memref<81250x32xf32, #tpu.memory_space<hbm>>
          tpu.enqueue_indirect_dma source(%dma_start3A_600 : memref<81250x32xf32, #tpu.memory_space<hbm>>) target(%dma_start3A_589 : memref<512x32xf32, #tpu.memory_space<vmem>>) offsets(%dma_start3A_597 : memref<512xi32, #tpu.memory_space<vmem>>) semaphore(%run_scoped3A_585 : memref<!tpu.dma_semaphore, #tpu.memory_space<semaphore_mem>>)
          %dma_wait3A_601 = arith.constant 0 : i32
          %dma_wait3A_602 = arith.constant 0 : i32
          %dma_wait3A_603 = tpu.memref_slice %run_scoped3A_12[%rem3A_426, %dma_wait3A_601, %dma_wait3A_602] : memref<2x512x32xf32, #tpu.memory_space<vmem>> -> memref<1x512x32xf32, #tpu.memory_space<vmem>>
          %dma_wait3A_604 = tpu.memref_squeeze %dma_wait3A_603 : memref<1x512x32xf32, #tpu.memory_space<vmem>> -> memref<512x32xf32, #tpu.memory_space<vmem>>
          %dma_wait3A_605 = arith.constant 0 : i32
          %dma_wait3A_606 = arith.constant 0 : i32
          %dma_wait3A_607 = arith.constant 0 : i32
          %dma_wait3A_608 = tpu.memref_slice %run_scoped3A_8[%rem3A_422, %dma_wait3A_605, %dma_wait3A_606, %dma_wait3A_607] : memref<2x1x1x512xi32, #tpu.memory_space<vmem>> -> memref<1x1x1x512xi32, #tpu.memory_space<vmem>>
          %dma_wait3A_609 = tpu.memref_squeeze %dma_wait3A_608 : memref<1x1x1x512xi32, #tpu.memory_space<vmem>> -> memref<1x1x512xi32, #tpu.memory_space<vmem>>
          %dma_wait3A_610 = arith.constant 0 : i32
          %dma_wait3A_611 = tpu.memref_slice %dma_wait3A_609[%run_scoped3A_429, %run_scoped3A_430, %dma_wait3A_610] : memref<1x1x512xi32, #tpu.memory_space<vmem>> -> memref<1x1x512xi32, #tpu.memory_space<vmem>>
          %dma_wait3A_612 = tpu.memref_squeeze %dma_wait3A_611 : memref<1x1x512xi32, #tpu.memory_space<vmem>> -> memref<512xi32, #tpu.memory_space<vmem>>
          %dma_wait3A_613 = arith.constant 0 : i32
          %dma_wait3A_614 = arith.constant 0 : i32
          %dma_wait3A_615 = tpu.memref_slice %arg3[%dma_wait3A_613, %dma_wait3A_614] : memref<81250x32xf32, #tpu.memory_space<hbm>> -> memref<81250x32xf32, #tpu.memory_space<hbm>>
          tpu.wait_indirect_dma semaphore(%run_scoped3A_585 : memref<!tpu.dma_semaphore, #tpu.memory_space<semaphore_mem>>) src(%dma_wait3A_615 : memref<81250x32xf32, #tpu.memory_space<hbm>>) dst(%dma_wait3A_604 : memref<512x32xf32, #tpu.memory_space<vmem>>)
          tpu.yield
        }) : () -> ()
        "tpu.trace_stop"() : () -> ()
        %ne3A_431 = arith.cmpi ne, %add3A_268, %add3A_306 : i32
        %ne3A_432 = arith.cmpi ne, %add3A_266, %add3A_304 : i32
        %or3A_433 = arith.constant false
        %or3A_434 = arith.ori %or3A_433, %ne3A_431 : i1
        %or3A_435 = arith.constant false
        %or3A_436 = arith.ori %or3A_434, %or3A_435 : i1
        %or3A_437 = arith.ori %or3A_436, %ne3A_432 : i1
        %or3A_438 = arith.ori %or3A_437, %eq3A_264 : i1
        %convert_element_type3A_439 = arith.extui %or3A_438 : i1 to i32
        %cond3A_440 = arith.constant 0 : i32
        %cond3A_441 = arith.cmpi ne, %convert_element_type3A_439, %cond3A_440 : i32
        scf.if %cond3A_441 {
        } else {
        }
        %and3A_442 = arith.constant false
        %and3A_443 = arith.andi %or3A_438, %and3A_442 : i1
        %ne3A_444 = arith.cmpi ne, %add3A_268, %add3A_306 : i32
        %ne3A_445 = arith.cmpi ne, %add3A_266, %add3A_304 : i32
        %or3A_446 = arith.constant false
        %or3A_447 = arith.ori %or3A_446, %ne3A_444 : i1
        %or3A_448 = arith.constant false
        %or3A_449 = arith.ori %or3A_447, %or3A_448 : i1
        %or3A_450 = arith.ori %or3A_449, %ne3A_445 : i1
        %or3A_451 = arith.ori %or3A_450, %eq3A_264 : i1
        %convert_element_type3A_452 = arith.extui %or3A_451 : i1 to i32
        %cond3A_453 = arith.constant 0 : i32
        %cond3A_454 = arith.cmpi ne, %convert_element_type3A_452, %cond3A_453 : i32
        scf.if %cond3A_454 {
        } else {
        }
        %and3A_455 = arith.constant false
        %and3A_456 = arith.andi %or3A_451, %and3A_455 : i1
        %ne3A_457 = arith.cmpi ne, %add3A_266, %add3A_304 : i32
        %ne3A_458 = arith.cmpi ne, %add3A_268, %add3A_306 : i32
        %or3A_459 = arith.constant false
        %or3A_460 = arith.ori %or3A_459, %ne3A_457 : i1
        %or3A_461 = arith.ori %or3A_460, %ne3A_458 : i1
        %or3A_462 = arith.ori %or3A_461, %eq3A_264 : i1
        %convert_element_type3A_463 = arith.extui %or3A_462 : i1 to i32
        %cond3A_464 = arith.constant 0 : i32
        %cond3A_465 = arith.cmpi ne, %convert_element_type3A_463, %cond3A_464 : i32
        scf.if %cond3A_465 {
          "tpu.trace_start"() <{level = 10 : i32, message = "ep_copy_out"}> : () -> ()
          %rem3A_585 = arith.constant 2 : i32
          %rem3A_586 = arith.remui %scan3A_255, %rem3A_585 : i32
          %mul3A_587 = arith.constant 512 : i32
          %mul3A_588 = arith.muli %mul3A_587, %add3A_266 : i32
          %mul3A_589 = arith.constant 32 : i32
          %mul3A_590 = arith.muli %mul3A_589, %add3A_268 : i32
          %dma_start3A_591 = arith.constant 0 : i32
          %dma_start3A_592 = arith.constant 0 : i32
          %dma_start3A_593 = tpu.memref_slice %run_scoped3A_10[%rem3A_586, %dma_start3A_591, %dma_start3A_592] : memref<2x512x32xf32, #tpu.memory_space<vmem>> -> memref<1x512x32xf32, #tpu.memory_space<vmem>>
          %dma_start3A_594 = tpu.memref_squeeze %dma_start3A_593 : memref<1x512x32xf32, #tpu.memory_space<vmem>> -> memref<512x32xf32, #tpu.memory_space<vmem>>
          %dma_start3A_595 = tpu.memref_slice %arg6[%mul3A_588, %mul3A_590] : memref<16384x832xf32, #tpu.memory_space<hbm>> -> memref<512x32xf32, #tpu.memory_space<hbm>>
          %dma_start3A_596 = tpu.memref_slice %run_scoped3A_11[%rem3A_586] : memref<2x!tpu.dma_semaphore, #tpu.memory_space<semaphore_mem>> -> memref<1x!tpu.dma_semaphore, #tpu.memory_space<semaphore_mem>>
          %dma_start3A_597 = tpu.memref_squeeze %dma_start3A_596 : memref<1x!tpu.dma_semaphore, #tpu.memory_space<semaphore_mem>> -> memref<!tpu.dma_semaphore, #tpu.memory_space<semaphore_mem>>
          %dma_start3A_598 = tpu.memref_slice %arg6[%mul3A_588, %mul3A_590] : memref<16384x832xf32, #tpu.memory_space<hbm>> -> memref<512x32xf32, #tpu.memory_space<hbm>>
          %dma_start3A_599 = arith.constant 0 : i32
          %dma_start3A_600 = arith.constant 0 : i32
          %dma_start3A_601 = tpu.memref_slice %run_scoped3A_10[%rem3A_586, %dma_start3A_599, %dma_start3A_600] : memref<2x512x32xf32, #tpu.memory_space<vmem>> -> memref<1x512x32xf32, #tpu.memory_space<vmem>>
          %dma_start3A_602 = tpu.memref_squeeze %dma_start3A_601 : memref<1x512x32xf32, #tpu.memory_space<vmem>> -> memref<512x32xf32, #tpu.memory_space<vmem>>
          tpu.enqueue_dma source(%dma_start3A_602 : memref<512x32xf32, #tpu.memory_space<vmem>>) target(%dma_start3A_598 : memref<512x32xf32, #tpu.memory_space<hbm>>) target_semaphore(%dma_start3A_597 : memref<!tpu.dma_semaphore, #tpu.memory_space<semaphore_mem>>)
          "tpu.trace_stop"() : () -> ()
        } else {
        }
        %and3A_466 = arith.constant true
        %and3A_467 = arith.andi %or3A_462, %and3A_466 : i1
        %add3A_468 = arith.constant 1 : i32
        %add3A_469 = arith.addi %scan3A_255, %add3A_468 : i32
        %select_n3A_470 = arith.select %and3A_467, %add3A_469, %scan3A_255 : i32
        %ne3A_471 = arith.cmpi ne, %add3A_266, %add3A_304 : i32
        %ne3A_472 = arith.cmpi ne, %add3A_268, %add3A_306 : i32
        %or3A_473 = arith.constant false
        %or3A_474 = arith.ori %or3A_473, %ne3A_471 : i1
        %or3A_475 = arith.ori %or3A_474, %ne3A_472 : i1
        %or3A_476 = arith.ori %or3A_475, %eq3A_264 : i1
        %convert_element_type3A_477 = arith.extui %or3A_476 : i1 to i32
        %cond3A_478 = arith.constant 0 : i32
        %cond3A_479 = arith.cmpi ne, %convert_element_type3A_477, %cond3A_478 : i32
        scf.if %cond3A_479 {
          "tpu.trace_start"() <{level = 10 : i32, message = "ep_copy_out"}> : () -> ()
          %rem3A_585 = arith.constant 2 : i32
          %rem3A_586 = arith.remui %scan3A_257, %rem3A_585 : i32
          %mul3A_587 = arith.constant 512 : i32
          %mul3A_588 = arith.muli %mul3A_587, %add3A_266 : i32
          %mul3A_589 = arith.constant 32 : i32
          %mul3A_590 = arith.muli %mul3A_589, %add3A_268 : i32
          %dma_start3A_591 = arith.constant 0 : i32
          %dma_start3A_592 = arith.constant 0 : i32
          %dma_start3A_593 = tpu.memref_slice %run_scoped3A_12[%rem3A_586, %dma_start3A_591, %dma_start3A_592] : memref<2x512x32xf32, #tpu.memory_space<vmem>> -> memref<1x512x32xf32, #tpu.memory_space<vmem>>
          %dma_start3A_594 = tpu.memref_squeeze %dma_start3A_593 : memref<1x512x32xf32, #tpu.memory_space<vmem>> -> memref<512x32xf32, #tpu.memory_space<vmem>>
          %dma_start3A_595 = tpu.memref_slice %arg7[%mul3A_588, %mul3A_590] : memref<16384x832xf32, #tpu.memory_space<hbm>> -> memref<512x32xf32, #tpu.memory_space<hbm>>
          %dma_start3A_596 = tpu.memref_slice %run_scoped3A_13[%rem3A_586] : memref<2x!tpu.dma_semaphore, #tpu.memory_space<semaphore_mem>> -> memref<1x!tpu.dma_semaphore, #tpu.memory_space<semaphore_mem>>
          %dma_start3A_597 = tpu.memref_squeeze %dma_start3A_596 : memref<1x!tpu.dma_semaphore, #tpu.memory_space<semaphore_mem>> -> memref<!tpu.dma_semaphore, #tpu.memory_space<semaphore_mem>>
          %dma_start3A_598 = tpu.memref_slice %arg7[%mul3A_588, %mul3A_590] : memref<16384x832xf32, #tpu.memory_space<hbm>> -> memref<512x32xf32, #tpu.memory_space<hbm>>
          %dma_start3A_599 = arith.constant 0 : i32
          %dma_start3A_600 = arith.constant 0 : i32
          %dma_start3A_601 = tpu.memref_slice %run_scoped3A_12[%rem3A_586, %dma_start3A_599, %dma_start3A_600] : memref<2x512x32xf32, #tpu.memory_space<vmem>> -> memref<1x512x32xf32, #tpu.memory_space<vmem>>
          %dma_start3A_602 = tpu.memref_squeeze %dma_start3A_601 : memref<1x512x32xf32, #tpu.memory_space<vmem>> -> memref<512x32xf32, #tpu.memory_space<vmem>>
          tpu.enqueue_dma source(%dma_start3A_602 : memref<512x32xf32, #tpu.memory_space<vmem>>) target(%dma_start3A_598 : memref<512x32xf32, #tpu.memory_space<hbm>>) target_semaphore(%dma_start3A_597 : memref<!tpu.dma_semaphore, #tpu.memory_space<semaphore_mem>>)
          "tpu.trace_stop"() : () -> ()
        } else {
        }
        %and3A_480 = arith.constant true
        %and3A_481 = arith.andi %or3A_476, %and3A_480 : i1
        %add3A_482 = arith.constant 1 : i32
        %add3A_483 = arith.addi %scan3A_257, %add3A_482 : i32
        %select_n3A_484 = arith.select %and3A_481, %add3A_483, %scan3A_257 : i32
        %ne3A_485 = arith.cmpi ne, %add3A_268, %add3A_287 : i32
        %ne3A_486 = arith.cmpi ne, %add3A_266, %add3A_285 : i32
        %or3A_487 = arith.constant false
        %or3A_488 = arith.ori %or3A_487, %ne3A_485 : i1
        %or3A_489 = arith.constant false
        %or3A_490 = arith.ori %or3A_488, %or3A_489 : i1
        %or3A_491 = arith.ori %or3A_490, %ne3A_486 : i1
        %not3A_492 = arith.constant true
        %not3A_493 = arith.xori %eq3A_262, %not3A_492 : i1
        %and3A_494 = arith.andi %or3A_491, %not3A_493 : i1
        %convert_element_type3A_495 = arith.extui %and3A_494 : i1 to i32
        %cond3A_496 = arith.constant 0 : i32
        %cond3A_497 = arith.cmpi ne, %convert_element_type3A_495, %cond3A_496 : i32
        scf.if %cond3A_497 {
        } else {
        }
        %and3A_498 = arith.constant false
        %and3A_499 = arith.andi %and3A_494, %and3A_498 : i1
        %ne3A_500 = arith.cmpi ne, %add3A_268, %add3A_287 : i32
        %ne3A_501 = arith.cmpi ne, %add3A_266, %add3A_285 : i32
        %or3A_502 = arith.constant false
        %or3A_503 = arith.ori %or3A_502, %ne3A_500 : i1
        %or3A_504 = arith.constant false
        %or3A_505 = arith.ori %or3A_503, %or3A_504 : i1
        %or3A_506 = arith.ori %or3A_505, %ne3A_501 : i1
        %not3A_507 = arith.constant true
        %not3A_508 = arith.xori %eq3A_262, %not3A_507 : i1
        %and3A_509 = arith.andi %or3A_506, %not3A_508 : i1
        %convert_element_type3A_510 = arith.extui %and3A_509 : i1 to i32
        %cond3A_511 = arith.constant 0 : i32
        %cond3A_512 = arith.cmpi ne, %convert_element_type3A_510, %cond3A_511 : i32
        scf.if %cond3A_512 {
        } else {
        }
        %and3A_513 = arith.constant false
        %and3A_514 = arith.andi %and3A_509, %and3A_513 : i1
        %ne3A_515 = arith.cmpi ne, %add3A_266, %add3A_285 : i32
        %ne3A_516 = arith.cmpi ne, %add3A_268, %add3A_287 : i32
        %or3A_517 = arith.constant false
        %or3A_518 = arith.ori %or3A_517, %ne3A_515 : i1
        %or3A_519 = arith.ori %or3A_518, %ne3A_516 : i1
        %not3A_520 = arith.constant true
        %not3A_521 = arith.xori %eq3A_262, %not3A_520 : i1
        %and3A_522 = arith.andi %or3A_519, %not3A_521 : i1
        %convert_element_type3A_523 = arith.extui %and3A_522 : i1 to i32
        %cond3A_524 = arith.constant 0 : i32
        %cond3A_525 = arith.cmpi ne, %convert_element_type3A_523, %cond3A_524 : i32
        scf.if %cond3A_525 {
          "tpu.trace_start"() <{level = 10 : i32, message = "ep_wait_out"}> : () -> ()
          %rem3A_585 = arith.constant 2 : i32
          %rem3A_586 = arith.remui %scan3A_256, %rem3A_585 : i32
          %mul3A_587 = arith.constant 512 : i32
          %mul3A_588 = arith.muli %mul3A_587, %add3A_285 : i32
          %mul3A_589 = arith.constant 32 : i32
          %mul3A_590 = arith.muli %mul3A_589, %add3A_287 : i32
          %dma_wait3A_591 = arith.constant 0 : i32
          %dma_wait3A_592 = arith.constant 0 : i32
          %dma_wait3A_593 = tpu.memref_slice %run_scoped3A_10[%rem3A_586, %dma_wait3A_591, %dma_wait3A_592] : memref<2x512x32xf32, #tpu.memory_space<vmem>> -> memref<1x512x32xf32, #tpu.memory_space<vmem>>
          %dma_wait3A_594 = tpu.memref_squeeze %dma_wait3A_593 : memref<1x512x32xf32, #tpu.memory_space<vmem>> -> memref<512x32xf32, #tpu.memory_space<vmem>>
          %dma_wait3A_595 = tpu.memref_slice %arg6[%mul3A_588, %mul3A_590] : memref<16384x832xf32, #tpu.memory_space<hbm>> -> memref<512x32xf32, #tpu.memory_space<hbm>>
          %dma_wait3A_596 = tpu.memref_slice %run_scoped3A_11[%rem3A_586] : memref<2x!tpu.dma_semaphore, #tpu.memory_space<semaphore_mem>> -> memref<1x!tpu.dma_semaphore, #tpu.memory_space<semaphore_mem>>
          %dma_wait3A_597 = tpu.memref_squeeze %dma_wait3A_596 : memref<1x!tpu.dma_semaphore, #tpu.memory_space<semaphore_mem>> -> memref<!tpu.dma_semaphore, #tpu.memory_space<semaphore_mem>>
          %dma_wait3A_598 = tpu.memref_slice %arg6[%mul3A_588, %mul3A_590] : memref<16384x832xf32, #tpu.memory_space<hbm>> -> memref<512x32xf32, #tpu.memory_space<hbm>>
          %dma_wait3A_599 = arith.constant 0 : i32
          %dma_wait3A_600 = arith.constant 0 : i32
          %dma_wait3A_601 = tpu.memref_slice %run_scoped3A_10[%rem3A_586, %dma_wait3A_599, %dma_wait3A_600] : memref<2x512x32xf32, #tpu.memory_space<vmem>> -> memref<1x512x32xf32, #tpu.memory_space<vmem>>
          %dma_wait3A_602 = tpu.memref_squeeze %dma_wait3A_601 : memref<1x512x32xf32, #tpu.memory_space<vmem>> -> memref<512x32xf32, #tpu.memory_space<vmem>>
          tpu.wait_dma2 semaphore(%dma_wait3A_597 : memref<!tpu.dma_semaphore, #tpu.memory_space<semaphore_mem>>) src(%dma_wait3A_602 : memref<512x32xf32, #tpu.memory_space<vmem>>) dst(%dma_wait3A_598 : memref<512x32xf32, #tpu.memory_space<hbm>>)
          "tpu.trace_stop"() : () -> ()
        } else {
        }
        %and3A_526 = arith.constant true
        %and3A_527 = arith.andi %and3A_522, %and3A_526 : i1
        %add3A_528 = arith.constant 1 : i32
        %add3A_529 = arith.addi %scan3A_256, %add3A_528 : i32
        %select_n3A_530 = arith.select %and3A_527, %add3A_529, %scan3A_256 : i32
        %ne3A_531 = arith.cmpi ne, %add3A_266, %add3A_285 : i32
        %ne3A_532 = arith.cmpi ne, %add3A_268, %add3A_287 : i32
        %or3A_533 = arith.constant false
        %or3A_534 = arith.ori %or3A_533, %ne3A_531 : i1
        %or3A_535 = arith.ori %or3A_534, %ne3A_532 : i1
        %not3A_536 = arith.constant true
        %not3A_537 = arith.xori %eq3A_262, %not3A_536 : i1
        %and3A_538 = arith.andi %or3A_535, %not3A_537 : i1
        %convert_element_type3A_539 = arith.extui %and3A_538 : i1 to i32
        %cond3A_540 = arith.constant 0 : i32
        %cond3A_541 = arith.cmpi ne, %convert_element_type3A_539, %cond3A_540 : i32
        scf.if %cond3A_541 {
          "tpu.trace_start"() <{level = 10 : i32, message = "ep_wait_out"}> : () -> ()
          %rem3A_585 = arith.constant 2 : i32
          %rem3A_586 = arith.remui %scan3A_258, %rem3A_585 : i32
          %mul3A_587 = arith.constant 512 : i32
          %mul3A_588 = arith.muli %mul3A_587, %add3A_285 : i32
          %mul3A_589 = arith.constant 32 : i32
          %mul3A_590 = arith.muli %mul3A_589, %add3A_287 : i32
          %dma_wait3A_591 = arith.constant 0 : i32
          %dma_wait3A_592 = arith.constant 0 : i32
          %dma_wait3A_593 = tpu.memref_slice %run_scoped3A_12[%rem3A_586, %dma_wait3A_591, %dma_wait3A_592] : memref<2x512x32xf32, #tpu.memory_space<vmem>> -> memref<1x512x32xf32, #tpu.memory_space<vmem>>
          %dma_wait3A_594 = tpu.memref_squeeze %dma_wait3A_593 : memref<1x512x32xf32, #tpu.memory_space<vmem>> -> memref<512x32xf32, #tpu.memory_space<vmem>>
          %dma_wait3A_595 = tpu.memref_slice %arg7[%mul3A_588, %mul3A_590] : memref<16384x832xf32, #tpu.memory_space<hbm>> -> memref<512x32xf32, #tpu.memory_space<hbm>>
          %dma_wait3A_596 = tpu.memref_slice %run_scoped3A_13[%rem3A_586] : memref<2x!tpu.dma_semaphore, #tpu.memory_space<semaphore_mem>> -> memref<1x!tpu.dma_semaphore, #tpu.memory_space<semaphore_mem>>
          %dma_wait3A_597 = tpu.memref_squeeze %dma_wait3A_596 : memref<1x!tpu.dma_semaphore, #tpu.memory_space<semaphore_mem>> -> memref<!tpu.dma_semaphore, #tpu.memory_space<semaphore_mem>>
          %dma_wait3A_598 = tpu.memref_slice %arg7[%mul3A_588, %mul3A_590] : memref<16384x832xf32, #tpu.memory_space<hbm>> -> memref<512x32xf32, #tpu.memory_space<hbm>>
          %dma_wait3A_599 = arith.constant 0 : i32
          %dma_wait3A_600 = arith.constant 0 : i32
          %dma_wait3A_601 = tpu.memref_slice %run_scoped3A_12[%rem3A_586, %dma_wait3A_599, %dma_wait3A_600] : memref<2x512x32xf32, #tpu.memory_space<vmem>> -> memref<1x512x32xf32, #tpu.memory_space<vmem>>
          %dma_wait3A_602 = tpu.memref_squeeze %dma_wait3A_601 : memref<1x512x32xf32, #tpu.memory_space<vmem>> -> memref<512x32xf32, #tpu.memory_space<vmem>>
          tpu.wait_dma2 semaphore(%dma_wait3A_597 : memref<!tpu.dma_semaphore, #tpu.memory_space<semaphore_mem>>) src(%dma_wait3A_602 : memref<512x32xf32, #tpu.memory_space<vmem>>) dst(%dma_wait3A_598 : memref<512x32xf32, #tpu.memory_space<hbm>>)
          "tpu.trace_stop"() : () -> ()
        } else {
        }
        %and3A_542 = arith.constant true
        %and3A_543 = arith.andi %and3A_538, %and3A_542 : i1
        %add3A_544 = arith.constant 1 : i32
        %add3A_545 = arith.addi %scan3A_258, %add3A_544 : i32
        %select_n3A_546 = arith.select %and3A_543, %add3A_545, %scan3A_258 : i32
        %ne3A_547 = arith.cmpi ne, %add3A_268, %add3A_306 : i32
        %ne3A_548 = arith.cmpi ne, %add3A_266, %add3A_304 : i32
        %or3A_549 = arith.constant false
        %or3A_550 = arith.ori %or3A_549, %ne3A_547 : i1
        %or3A_551 = arith.constant false
        %or3A_552 = arith.ori %or3A_550, %or3A_551 : i1
        %or3A_553 = arith.ori %or3A_552, %ne3A_548 : i1
        %or3A_554 = arith.ori %or3A_553, %eq3A_264 : i1
        %add3A_555 = arith.constant 1 : i32
        %add3A_556 = arith.addi %scan3A_252, %add3A_555 : i32
        %select_n3A_557 = arith.select %or3A_554, %add3A_556, %scan3A_252 : i32
        %ne3A_558 = arith.cmpi ne, %add3A_268, %add3A_306 : i32
        %ne3A_559 = arith.cmpi ne, %add3A_266, %add3A_304 : i32
        %or3A_560 = arith.constant false
        %or3A_561 = arith.ori %or3A_560, %ne3A_558 : i1
        %or3A_562 = arith.constant false
        %or3A_563 = arith.ori %or3A_561, %or3A_562 : i1
        %or3A_564 = arith.ori %or3A_563, %ne3A_559 : i1
        %or3A_565 = arith.ori %or3A_564, %eq3A_264 : i1
        %add3A_566 = arith.constant 1 : i32
        %add3A_567 = arith.addi %scan3A_254, %add3A_566 : i32
        %select_n3A_568 = arith.select %or3A_565, %add3A_567, %scan3A_254 : i32
        %add3A_569 = arith.constant 1 : i32
        %add3A_570 = arith.addi %scan3A_260, %add3A_569 : i32
        %select_n3A_571 = arith.constant true
        %select_n3A_572 = arith.select %select_n3A_571, %add3A_570, %scan3A_260 : i32
        %eq3A_573 = arith.constant 26 : i32
        %eq3A_574 = arith.cmpi eq, %select_n3A_572, %eq3A_573 : i32
        %select_n3A_575 = arith.constant 0 : i32
        %select_n3A_576 = arith.select %eq3A_574, %select_n3A_575, %select_n3A_572 : i32
        %select_n3A_577 = arith.constant 0 : i32
        %select_n3A_578 = arith.constant 1 : i32
        %select_n3A_579 = arith.select %eq3A_574, %select_n3A_578, %select_n3A_577 : i32
        %eq3A_580 = arith.constant 1 : i32
        %eq3A_581 = arith.cmpi eq, %select_n3A_579, %eq3A_580 : i32
        %select_n3A_582 = arith.constant 0 : i32
        %select_n3A_583 = arith.select %eq3A_581, %select_n3A_582, %select_n3A_579 : i32
        %scan3A_584 = arith.constant 0 : i32
        scf.yield %select_n3A_338, %select_n3A_557, %select_n3A_358, %select_n3A_568, %select_n3A_470, %select_n3A_530, %select_n3A_484, %select_n3A_546, %scan3A_584, %select_n3A_576 : i32, i32, i32, i32, i32, i32, i32, i32, i32, i32
      }
      %scan3A_139 = arith.constant 26 : i32
      %sub3A = arith.constant 1 : i32
      %sub3A_140 = arith.subi %scan3A_138#9, %sub3A : i32
      %select_n3A_141 = arith.constant true
      %select_n3A_142 = arith.select %select_n3A_141, %sub3A_140, %scan3A_138#9 : i32
      %eq3A_143 = arith.constant -1 : i32
      %eq3A_144 = arith.cmpi eq, %select_n3A_142, %eq3A_143 : i32
      %select_n3A_145 = arith.constant 25 : i32
      %select_n3A_146 = arith.select %eq3A_144, %select_n3A_145, %select_n3A_142 : i32
      %sub3A_147 = arith.constant 1 : i32
      %sub3A_148 = arith.subi %scan3A_138#8, %sub3A_147 : i32
      %select_n3A_149 = arith.select %eq3A_144, %sub3A_148, %scan3A_138#8 : i32
      %eq3A_150 = arith.constant -1 : i32
      %eq3A_151 = arith.cmpi eq, %select_n3A_149, %eq3A_150 : i32
      %select_n3A_152 = arith.constant 0 : i32
      %select_n3A_153 = arith.select %eq3A_151, %select_n3A_152, %select_n3A_149 : i32
      %add3A_154 = arith.constant 0 : i32
      %add3A_155 = arith.addi %add3A_154, %mul3A_6 : i32
      %add3A_156 = arith.constant 0 : i32
      %add3A_157 = arith.addi %select_n3A_146, %add3A_156 : i32
      %sub3A_158 = arith.constant 1 : i32
      %sub3A_159 = arith.subi %select_n3A_146, %sub3A_158 : i32
      %select_n3A_160 = arith.constant true
      %select_n3A_161 = arith.select %select_n3A_160, %sub3A_159, %select_n3A_146 : i32
      %eq3A_162 = arith.constant -1 : i32
      %eq3A_163 = arith.cmpi eq, %select_n3A_161, %eq3A_162 : i32
      %select_n3A_164 = arith.constant 25 : i32
      %select_n3A_165 = arith.select %eq3A_163, %select_n3A_164, %select_n3A_161 : i32
      %select_n3A_166 = arith.constant 0 : i32
      %select_n3A_167 = arith.constant -1 : i32
      %select_n3A_168 = arith.select %eq3A_163, %select_n3A_167, %select_n3A_166 : i32
      %eq3A_169 = arith.constant -1 : i32
      %eq3A_170 = arith.cmpi eq, %select_n3A_168, %eq3A_169 : i32
      %select_n3A_171 = arith.constant 0 : i32
      %select_n3A_172 = arith.select %eq3A_170, %select_n3A_171, %select_n3A_168 : i32
      %add3A_173 = arith.constant 0 : i32
      %add3A_174 = arith.addi %add3A_173, %mul3A_6 : i32
      %add3A_175 = arith.constant 0 : i32
      %add3A_176 = arith.addi %select_n3A_165, %add3A_175 : i32
      %add3A_177 = arith.constant 1 : i32
      %add3A_178 = arith.addi %select_n3A_146, %add3A_177 : i32
      %select_n3A_179 = arith.constant true
      %select_n3A_180 = arith.select %select_n3A_179, %add3A_178, %select_n3A_146 : i32
      %eq3A_181 = arith.constant 26 : i32
      %eq3A_182 = arith.cmpi eq, %select_n3A_180, %eq3A_181 : i32
      %select_n3A_183 = arith.constant 0 : i32
      %select_n3A_184 = arith.select %eq3A_182, %select_n3A_183, %select_n3A_180 : i32
      %select_n3A_185 = arith.constant 0 : i32
      %select_n3A_186 = arith.constant 1 : i32
      %select_n3A_187 = arith.select %eq3A_182, %select_n3A_186, %select_n3A_185 : i32
      %eq3A_188 = arith.constant 1 : i32
      %eq3A_189 = arith.cmpi eq, %select_n3A_187, %eq3A_188 : i32
      %select_n3A_190 = arith.constant 0 : i32
      %select_n3A_191 = arith.select %eq3A_189, %select_n3A_190, %select_n3A_187 : i32
      %add3A_192 = arith.constant 0 : i32
      %add3A_193 = arith.addi %add3A_192, %mul3A_6 : i32
      %add3A_194 = arith.constant 0 : i32
      %add3A_195 = arith.addi %select_n3A_184, %add3A_194 : i32
      %add3A_196 = arith.constant 1 : i32
      %add3A_197 = arith.addi %select_n3A_184, %add3A_196 : i32
      %select_n3A_198 = arith.constant true
      %select_n3A_199 = arith.select %select_n3A_198, %add3A_197, %select_n3A_184 : i32
      %eq3A_200 = arith.constant 26 : i32
      %eq3A_201 = arith.cmpi eq, %select_n3A_199, %eq3A_200 : i32
      %select_n3A_202 = arith.constant 0 : i32
      %select_n3A_203 = arith.select %eq3A_201, %select_n3A_202, %select_n3A_199 : i32
      %select_n3A_204 = arith.constant 0 : i32
      %select_n3A_205 = arith.constant 1 : i32
      %select_n3A_206 = arith.select %eq3A_201, %select_n3A_205, %select_n3A_204 : i32
      %eq3A_207 = arith.constant 1 : i32
      %eq3A_208 = arith.cmpi eq, %select_n3A_206, %eq3A_207 : i32
      %select_n3A_209 = arith.constant 0 : i32
      %select_n3A_210 = arith.select %eq3A_208, %select_n3A_209, %select_n3A_206 : i32
      %add3A_211 = arith.constant 0 : i32
      %add3A_212 = arith.addi %add3A_211, %mul3A_6 : i32
      %add3A_213 = arith.constant 0 : i32
      %add3A_214 = arith.addi %select_n3A_203, %add3A_213 : i32
      "tpu.trace_start"() <{level = 10 : i32, message = "ep_finalize"}> : () -> ()
      %rem3A_215 = arith.constant 2 : i32
      %rem3A_216 = arith.remui %scan3A_138#5, %rem3A_215 : i32
      %mul3A_217 = arith.constant 512 : i32
      %mul3A_218 = arith.muli %mul3A_217, %add3A_155 : i32
      %mul3A_219 = arith.constant 32 : i32
      %mul3A_220 = arith.muli %mul3A_219, %add3A_157 : i32
      %dma_wait3A = arith.constant 0 : i32
      %dma_wait3A_221 = arith.constant 0 : i32
      %dma_wait3A_222 = tpu.memref_slice %run_scoped3A_10[%rem3A_216, %dma_wait3A, %dma_wait3A_221] : memref<2x512x32xf32, #tpu.memory_space<vmem>> -> memref<1x512x32xf32, #tpu.memory_space<vmem>>
      %dma_wait3A_223 = tpu.memref_squeeze %dma_wait3A_222 : memref<1x512x32xf32, #tpu.memory_space<vmem>> -> memref<512x32xf32, #tpu.memory_space<vmem>>
      %dma_wait3A_224 = tpu.memref_slice %arg6[%mul3A_218, %mul3A_220] : memref<16384x832xf32, #tpu.memory_space<hbm>> -> memref<512x32xf32, #tpu.memory_space<hbm>>
      %dma_wait3A_225 = tpu.memref_slice %run_scoped3A_11[%rem3A_216] : memref<2x!tpu.dma_semaphore, #tpu.memory_space<semaphore_mem>> -> memref<1x!tpu.dma_semaphore, #tpu.memory_space<semaphore_mem>>
      %dma_wait3A_226 = tpu.memref_squeeze %dma_wait3A_225 : memref<1x!tpu.dma_semaphore, #tpu.memory_space<semaphore_mem>> -> memref<!tpu.dma_semaphore, #tpu.memory_space<semaphore_mem>>
      %dma_wait3A_227 = tpu.memref_slice %arg6[%mul3A_218, %mul3A_220] : memref<16384x832xf32, #tpu.memory_space<hbm>> -> memref<512x32xf32, #tpu.memory_space<hbm>>
      %dma_wait3A_228 = arith.constant 0 : i32
      %dma_wait3A_229 = arith.constant 0 : i32
      %dma_wait3A_230 = tpu.memref_slice %run_scoped3A_10[%rem3A_216, %dma_wait3A_228, %dma_wait3A_229] : memref<2x512x32xf32, #tpu.memory_space<vmem>> -> memref<1x512x32xf32, #tpu.memory_space<vmem>>
      %dma_wait3A_231 = tpu.memref_squeeze %dma_wait3A_230 : memref<1x512x32xf32, #tpu.memory_space<vmem>> -> memref<512x32xf32, #tpu.memory_space<vmem>>
      tpu.wait_dma2 semaphore(%dma_wait3A_226 : memref<!tpu.dma_semaphore, #tpu.memory_space<semaphore_mem>>) src(%dma_wait3A_231 : memref<512x32xf32, #tpu.memory_space<vmem>>) dst(%dma_wait3A_227 : memref<512x32xf32, #tpu.memory_space<hbm>>)
      %rem3A_232 = arith.constant 2 : i32
      %rem3A_233 = arith.remui %scan3A_138#7, %rem3A_232 : i32
      %mul3A_234 = arith.constant 512 : i32
      %mul3A_235 = arith.muli %mul3A_234, %add3A_155 : i32
      %mul3A_236 = arith.constant 32 : i32
      %mul3A_237 = arith.muli %mul3A_236, %add3A_157 : i32
      %dma_wait3A_238 = arith.constant 0 : i32
      %dma_wait3A_239 = arith.constant 0 : i32
      %dma_wait3A_240 = tpu.memref_slice %run_scoped3A_12[%rem3A_233, %dma_wait3A_238, %dma_wait3A_239] : memref<2x512x32xf32, #tpu.memory_space<vmem>> -> memref<1x512x32xf32, #tpu.memory_space<vmem>>
      %dma_wait3A_241 = tpu.memref_squeeze %dma_wait3A_240 : memref<1x512x32xf32, #tpu.memory_space<vmem>> -> memref<512x32xf32, #tpu.memory_space<vmem>>
      %dma_wait3A_242 = tpu.memref_slice %arg7[%mul3A_235, %mul3A_237] : memref<16384x832xf32, #tpu.memory_space<hbm>> -> memref<512x32xf32, #tpu.memory_space<hbm>>
      %dma_wait3A_243 = tpu.memref_slice %run_scoped3A_13[%rem3A_233] : memref<2x!tpu.dma_semaphore, #tpu.memory_space<semaphore_mem>> -> memref<1x!tpu.dma_semaphore, #tpu.memory_space<semaphore_mem>>
      %dma_wait3A_244 = tpu.memref_squeeze %dma_wait3A_243 : memref<1x!tpu.dma_semaphore, #tpu.memory_space<semaphore_mem>> -> memref<!tpu.dma_semaphore, #tpu.memory_space<semaphore_mem>>
      %dma_wait3A_245 = tpu.memref_slice %arg7[%mul3A_235, %mul3A_237] : memref<16384x832xf32, #tpu.memory_space<hbm>> -> memref<512x32xf32, #tpu.memory_space<hbm>>
      %dma_wait3A_246 = arith.constant 0 : i32
      %dma_wait3A_247 = arith.constant 0 : i32
      %dma_wait3A_248 = tpu.memref_slice %run_scoped3A_12[%rem3A_233, %dma_wait3A_246, %dma_wait3A_247] : memref<2x512x32xf32, #tpu.memory_space<vmem>> -> memref<1x512x32xf32, #tpu.memory_space<vmem>>
      %dma_wait3A_249 = tpu.memref_squeeze %dma_wait3A_248 : memref<1x512x32xf32, #tpu.memory_space<vmem>> -> memref<512x32xf32, #tpu.memory_space<vmem>>
      tpu.wait_dma2 semaphore(%dma_wait3A_244 : memref<!tpu.dma_semaphore, #tpu.memory_space<semaphore_mem>>) src(%dma_wait3A_249 : memref<512x32xf32, #tpu.memory_space<vmem>>) dst(%dma_wait3A_245 : memref<512x32xf32, #tpu.memory_space<hbm>>)
      "tpu.trace_stop"() : () -> ()
      tpu.yield
    }) : () -> ()
    return
  }
}

module attributes {stable_mosaic.version = 14 : i64} {
  func.func @_stats_body(%arg0: i32, %arg1: memref<1024x832xf32, #tpu.memory_space<vmem>>, %arg2: memref<1024x13xf32, #tpu.memory_space<vmem>>, %arg3: memref<8x832xf32, #tpu.memory_space<vmem>>, %arg4: memref<8x13xf32, #tpu.memory_space<vmem>>) attributes {dimension_semantics = [#tpu.dimension_semantics<arbitrary>], iteration_bounds = array<i64: 16>, scalar_prefetch = 0 : i64, scratch_operands = 0 : i64, tpu.core_type = #tpu.core_type<tc>, window_params = [{transform_indices = @transform_0, window_bounds = array<i64: 1024, 832>}, {transform_indices = @transform_1, window_bounds = array<i64: 1024, 13>}, {pipeline_mode = #tpu.pipeline_mode<synchronous>, transform_indices = @transform_2, window_bounds = array<i64: 8, 832>}, {pipeline_mode = #tpu.pipeline_mode<synchronous>, transform_indices = @transform_3, window_bounds = array<i64: 8, 13>}]} {
    %eq3A = arith.constant 0 : i32
    %eq3A_0 = arith.cmpi eq, %arg0, %eq3A : i32
    %convert_element_type3A = arith.extui %eq3A_0 : i1 to i32
    %cond3A = arith.constant 0 : i32
    %cond3A_1 = arith.cmpi ne, %convert_element_type3A, %cond3A : i32
    scf.if %cond3A_1 {
      %broadcast_in_dim3A_44 = arith.constant 0.000000e+00 : f32
      %broadcast_in_dim3A_45 = vector.broadcast %broadcast_in_dim3A_44 : f32 to vector<8x832xf32>
      %swap3A_46 = arith.constant 0 : index
      %swap3A_47 = arith.constant 0 : index
      %swap3A_48 = vector.load %arg3[%swap3A_46, %swap3A_47] : memref<8x832xf32, #tpu.memory_space<vmem>>, vector<8x832xf32>
      tpu.vector_store %arg3[%swap3A_46, %swap3A_47], %broadcast_in_dim3A_45 {strides = array<i32>} : memref<8x832xf32, #tpu.memory_space<vmem>>, vector<8x832xf32>,
      %broadcast_in_dim3A_49 = arith.constant 0.000000e+00 : f32
      %broadcast_in_dim3A_50 = vector.broadcast %broadcast_in_dim3A_49 : f32 to vector<8x13xf32>
      %swap3A_51 = arith.constant 0 : index
      %swap3A_52 = arith.constant 0 : index
      %swap3A_53 = vector.load %arg4[%swap3A_51, %swap3A_52] : memref<8x13xf32, #tpu.memory_space<vmem>>, vector<8x13xf32>
      tpu.vector_store %arg4[%swap3A_51, %swap3A_52], %broadcast_in_dim3A_50 {strides = array<i32>} : memref<8x13xf32, #tpu.memory_space<vmem>>, vector<8x13xf32>,
    } else {
    }
    %get3A = arith.constant 0 : index
    %get3A_2 = arith.constant 0 : index
    %get3A_3 = vector.load %arg1[%get3A, %get3A_2] : memref<1024x832xf32, #tpu.memory_space<vmem>>, vector<1024x832xf32>
    %get3A_4 = arith.constant 0 : index
    %get3A_5 = arith.constant 0 : index
    %get3A_6 = vector.load %arg2[%get3A_4, %get3A_5] : memref<1024x13xf32, #tpu.memory_space<vmem>>, vector<1024x13xf32>
    %get3A_7 = arith.constant 0 : index
    %get3A_8 = arith.constant 0 : index
    %get3A_9 = vector.load %arg3[%get3A_7, %get3A_8] : memref<8x832xf32, #tpu.memory_space<vmem>>, vector<1x832xf32>
    %reduce_sum3A = arith.constant dense<0.000000e+00> : vector<832xf32>
    %reduce_sum3A_10 = vector.multi_reduction <add>, %get3A_3, %reduce_sum3A [0] : vector<1024x832xf32> to vector<832xf32>
    %broadcast_in_dim3A = vector.shape_cast %reduce_sum3A_10 : vector<832xf32> to vector<1x832xf32>
    %add3A = arith.addf %get3A_9, %broadcast_in_dim3A : vector<1x832xf32>
    %swap3A = arith.constant 0 : index
    %swap3A_11 = arith.constant 0 : index
    %swap3A_12 = vector.load %arg3[%swap3A, %swap3A_11] : memref<8x832xf32, #tpu.memory_space<vmem>>, vector<1x832xf32>
    tpu.vector_store %arg3[%swap3A, %swap3A_11], %add3A {strides = array<i32>} : memref<8x832xf32, #tpu.memory_space<vmem>>, vector<1x832xf32>,
    %get3A_13 = arith.constant 1 : index
    %get3A_14 = arith.constant 0 : index
    %get3A_15 = vector.load %arg3[%get3A_13, %get3A_14] : memref<8x832xf32, #tpu.memory_space<vmem>>, vector<1x832xf32>
    %mul3A = arith.mulf %get3A_3, %get3A_3 : vector<1024x832xf32>
    %reduce_sum3A_16 = arith.constant dense<0.000000e+00> : vector<832xf32>
    %reduce_sum3A_17 = vector.multi_reduction <add>, %mul3A, %reduce_sum3A_16 [0] : vector<1024x832xf32> to vector<832xf32>
    %broadcast_in_dim3A_18 = vector.shape_cast %reduce_sum3A_17 : vector<832xf32> to vector<1x832xf32>
    %add3A_19 = arith.addf %get3A_15, %broadcast_in_dim3A_18 : vector<1x832xf32>
    %swap3A_20 = arith.constant 1 : index
    %swap3A_21 = arith.constant 0 : index
    %swap3A_22 = vector.load %arg3[%swap3A_20, %swap3A_21] : memref<8x832xf32, #tpu.memory_space<vmem>>, vector<1x832xf32>
    tpu.vector_store %arg3[%swap3A_20, %swap3A_21], %add3A_19 {strides = array<i32>} : memref<8x832xf32, #tpu.memory_space<vmem>>, vector<1x832xf32>,
    %get3A_23 = arith.constant 0 : index
    %get3A_24 = arith.constant 0 : index
    %get3A_25 = vector.load %arg4[%get3A_23, %get3A_24] : memref<8x13xf32, #tpu.memory_space<vmem>>, vector<1x13xf32>
    %reduce_sum3A_26 = arith.constant dense<0.000000e+00> : vector<13xf32>
    %reduce_sum3A_27 = vector.multi_reduction <add>, %get3A_6, %reduce_sum3A_26 [0] : vector<1024x13xf32> to vector<13xf32>
    %broadcast_in_dim3A_28 = vector.shape_cast %reduce_sum3A_27 : vector<13xf32> to vector<1x13xf32>
    %add3A_29 = arith.addf %get3A_25, %broadcast_in_dim3A_28 : vector<1x13xf32>
    %swap3A_30 = arith.constant 0 : index
    %swap3A_31 = arith.constant 0 : index
    %swap3A_32 = vector.load %arg4[%swap3A_30, %swap3A_31] : memref<8x13xf32, #tpu.memory_space<vmem>>, vector<1x13xf32>
    tpu.vector_store %arg4[%swap3A_30, %swap3A_31], %add3A_29 {strides = array<i32>} : memref<8x13xf32, #tpu.memory_space<vmem>>, vector<1x13xf32>,
    %get3A_33 = arith.constant 1 : index
    %get3A_34 = arith.constant 0 : index
    %get3A_35 = vector.load %arg4[%get3A_33, %get3A_34] : memref<8x13xf32, #tpu.memory_space<vmem>>, vector<1x13xf32>
    %mul3A_36 = arith.mulf %get3A_6, %get3A_6 : vector<1024x13xf32>
    %reduce_sum3A_37 = arith.constant dense<0.000000e+00> : vector<13xf32>
    %reduce_sum3A_38 = vector.multi_reduction <add>, %mul3A_36, %reduce_sum3A_37 [0] : vector<1024x13xf32> to vector<13xf32>
    %broadcast_in_dim3A_39 = vector.shape_cast %reduce_sum3A_38 : vector<13xf32> to vector<1x13xf32>
    %add3A_40 = arith.addf %get3A_35, %broadcast_in_dim3A_39 : vector<1x13xf32>
    %swap3A_41 = arith.constant 1 : index
    %swap3A_42 = arith.constant 0 : index
    %swap3A_43 = vector.load %arg4[%swap3A_41, %swap3A_42] : memref<8x13xf32, #tpu.memory_space<vmem>>, vector<1x13xf32>
    tpu.vector_store %arg4[%swap3A_41, %swap3A_42], %add3A_40 {strides = array<i32>} : memref<8x13xf32, #tpu.memory_space<vmem>>, vector<1x13xf32>,
    return
  }
  func.func @transform_0(%arg0: i32) -> (i32, i32) {
    %c0_i32 = arith.constant 0 : i32
    %c0_i32_0 = arith.constant 0 : i32
    return %arg0, %c0_i32 : i32, i32
  }
  func.func @transform_1(%arg0: i32) -> (i32, i32) {
    %c0_i32 = arith.constant 0 : i32
    %c0_i32_0 = arith.constant 0 : i32
    return %arg0, %c0_i32 : i32, i32
  }
  func.func @transform_2(%arg0: i32) -> (i32, i32) {
    %c0_i32 = arith.constant 0 : i32
    %c0_i32_0 = arith.constant 0 : i32
    %c0_i32_1 = arith.constant 0 : i32
    return %c0_i32, %c0_i32_0 : i32, i32
  }
  func.func @transform_3(%arg0: i32) -> (i32, i32) {
    %c0_i32 = arith.constant 0 : i32
    %c0_i32_0 = arith.constant 0 : i32
    %c0_i32_1 = arith.constant 0 : i32
    return %c0_i32, %c0_i32_0 : i32, i32
  }
}

module attributes {stable_mosaic.version = 14 : i64} {
  func.func @_h1_body(%arg0: i32, %arg1: memref<1024x832xf32, #tpu.memory_space<vmem>>, %arg2: memref<1024x13xf32, #tpu.memory_space<vmem>>, %arg3: memref<8x832xf32, #tpu.memory_space<vmem>>, %arg4: memref<8x13xf32, #tpu.memory_space<vmem>>, %arg5: memref<1x832xf32, #tpu.memory_space<vmem>>, %arg6: memref<1x832xf32, #tpu.memory_space<vmem>>, %arg7: memref<1x13xf32, #tpu.memory_space<vmem>>, %arg8: memref<1x13xf32, #tpu.memory_space<vmem>>, %arg9: memref<832x256xbf16, #tpu.memory_space<vmem>>, %arg10: memref<13x256xbf16, #tpu.memory_space<vmem>>, %arg11: memref<1x256xf32, #tpu.memory_space<vmem>>, %arg12: memref<1024x256xf32, #tpu.memory_space<vmem>>, %arg13: memref<1024x32xf32, #tpu.memory_space<vmem>>, %arg14: memref<8x256xf32, #tpu.memory_space<vmem>>) attributes {dimension_semantics = [#tpu.dimension_semantics<arbitrary>], iteration_bounds = array<i64: 16>, scalar_prefetch = 0 : i64, scratch_operands = 0 : i64, tpu.core_type = #tpu.core_type<tc>, window_params = [{transform_indices = @transform_0, window_bounds = array<i64: 1024, 832>}, {transform_indices = @transform_1, window_bounds = array<i64: 1024, 13>}, {pipeline_mode = #tpu.pipeline_mode<synchronous>, transform_indices = @transform_2, window_bounds = array<i64: 8, 832>}, {pipeline_mode = #tpu.pipeline_mode<synchronous>, transform_indices = @transform_3, window_bounds = array<i64: 8, 13>}, {pipeline_mode = #tpu.pipeline_mode<synchronous>, transform_indices = @transform_4, window_bounds = array<i64: 1, 832>}, {pipeline_mode = #tpu.pipeline_mode<synchronous>, transform_indices = @transform_5, window_bounds = array<i64: 1, 832>}, {pipeline_mode = #tpu.pipeline_mode<synchronous>, transform_indices = @transform_6, window_bounds = array<i64: 1, 13>}, {pipeline_mode = #tpu.pipeline_mode<synchronous>, transform_indices = @transform_7, window_bounds = array<i64: 1, 13>}, {pipeline_mode = #tpu.pipeline_mode<synchronous>, transform_indices = @transform_8, window_bounds = array<i64: 832, 256>}, {pipeline_mode = #tpu.pipeline_mode<synchronous>, transform_indices = @transform_9, window_bounds = array<i64: 13, 256>}, {pipeline_mode = #tpu.pipeline_mode<synchronous>, transform_indices = @transform_10, window_bounds = array<i64: 1, 256>}, {transform_indices = @transform_11, window_bounds = array<i64: 1024, 256>}, {transform_indices = @transform_12, window_bounds = array<i64: 1024, 32>}, {pipeline_mode = #tpu.pipeline_mode<synchronous>, transform_indices = @transform_13, window_bounds = array<i64: 8, 256>}]} {
    %eq3A = arith.constant 0 : i32
    %eq3A_0 = arith.cmpi eq, %arg0, %eq3A : i32
    %convert_element_type3A = arith.extui %eq3A_0 : i1 to i32
    %cond3A = arith.constant 0 : i32
    %cond3A_1 = arith.cmpi ne, %convert_element_type3A, %cond3A : i32
    scf.if %cond3A_1 {
      %broadcast_in_dim3A_216 = arith.constant 0.000000e+00 : f32
      %broadcast_in_dim3A_217 = vector.broadcast %broadcast_in_dim3A_216 : f32 to vector<8x256xf32>
      %swap3A_218 = arith.constant 0 : index
      %swap3A_219 = arith.constant 0 : index
      %swap3A_220 = vector.load %arg14[%swap3A_218, %swap3A_219] : memref<8x256xf32, #tpu.memory_space<vmem>>, vector<8x256xf32>
      tpu.vector_store %arg14[%swap3A_218, %swap3A_219], %broadcast_in_dim3A_217 {strides = array<i32>} : memref<8x256xf32, #tpu.memory_space<vmem>>, vector<8x256xf32>,
    } else {
    }
    %get3A = arith.constant 0 : index
    %get3A_2 = arith.constant 0 : index
    %get3A_3 = vector.load %arg1[%get3A, %get3A_2] : memref<1024x832xf32, #tpu.memory_space<vmem>>, vector<1024x832xf32>
    %get3A_4 = arith.constant 0 : index
    %get3A_5 = arith.constant 0 : index
    %get3A_6 = vector.load %arg2[%get3A_4, %get3A_5] : memref<1024x13xf32, #tpu.memory_space<vmem>>, vector<1024x13xf32>
    %broadcast_in_dim3A = arith.constant 0.000000e+00 : f32
    %broadcast_in_dim3A_7 = vector.broadcast %broadcast_in_dim3A : f32 to vector<1024x32xf32>
    %broadcast_in_dim3A_8 = arith.constant 0.000000e+00 : f32
    %broadcast_in_dim3A_9 = vector.broadcast %broadcast_in_dim3A_8 : f32 to vector<1024x32xf32>
    %slice3A = vector.extract_strided_slice %get3A_3 {offsets = [0, 0], sizes = [1024, 32], strides = [1, 1]} : vector<1024x832xf32> to vector<1024x32xf32>
    %add3A = arith.addf %broadcast_in_dim3A_7, %slice3A : vector<1024x32xf32>
    %mul3A = arith.mulf %slice3A, %slice3A : vector<1024x32xf32>
    %add3A_10 = arith.addf %broadcast_in_dim3A_9, %mul3A : vector<1024x32xf32>
    %slice3A_11 = vector.extract_strided_slice %get3A_3 {offsets = [0, 32], sizes = [1024, 32], strides = [1, 1]} : vector<1024x832xf32> to vector<1024x32xf32>
    %add3A_12 = arith.addf %add3A, %slice3A_11 : vector<1024x32xf32>
    %mul3A_13 = arith.mulf %slice3A_11, %slice3A_11 : vector<1024x32xf32>
    %add3A_14 = arith.addf %add3A_10, %mul3A_13 : vector<1024x32xf32>
    %slice3A_15 = vector.extract_strided_slice %get3A_3 {offsets = [0, 64], sizes = [1024, 32], strides = [1, 1]} : vector<1024x832xf32> to vector<1024x32xf32>
    %add3A_16 = arith.addf %add3A_12, %slice3A_15 : vector<1024x32xf32>
    %mul3A_17 = arith.mulf %slice3A_15, %slice3A_15 : vector<1024x32xf32>
    %add3A_18 = arith.addf %add3A_14, %mul3A_17 : vector<1024x32xf32>
    %slice3A_19 = vector.extract_strided_slice %get3A_3 {offsets = [0, 96], sizes = [1024, 32], strides = [1, 1]} : vector<1024x832xf32> to vector<1024x32xf32>
    %add3A_20 = arith.addf %add3A_16, %slice3A_19 : vector<1024x32xf32>
    %mul3A_21 = arith.mulf %slice3A_19, %slice3A_19 : vector<1024x32xf32>
    %add3A_22 = arith.addf %add3A_18, %mul3A_21 : vector<1024x32xf32>
    %slice3A_23 = vector.extract_strided_slice %get3A_3 {offsets = [0, 128], sizes = [1024, 32], strides = [1, 1]} : vector<1024x832xf32> to vector<1024x32xf32>
    %add3A_24 = arith.addf %add3A_20, %slice3A_23 : vector<1024x32xf32>
    %mul3A_25 = arith.mulf %slice3A_23, %slice3A_23 : vector<1024x32xf32>
    %add3A_26 = arith.addf %add3A_22, %mul3A_25 : vector<1024x32xf32>
    %slice3A_27 = vector.extract_strided_slice %get3A_3 {offsets = [0, 160], sizes = [1024, 32], strides = [1, 1]} : vector<1024x832xf32> to vector<1024x32xf32>
    %add3A_28 = arith.addf %add3A_24, %slice3A_27 : vector<1024x32xf32>
    %mul3A_29 = arith.mulf %slice3A_27, %slice3A_27 : vector<1024x32xf32>
    %add3A_30 = arith.addf %add3A_26, %mul3A_29 : vector<1024x32xf32>
    %slice3A_31 = vector.extract_strided_slice %get3A_3 {offsets = [0, 192], sizes = [1024, 32], strides = [1, 1]} : vector<1024x832xf32> to vector<1024x32xf32>
    %add3A_32 = arith.addf %add3A_28, %slice3A_31 : vector<1024x32xf32>
    %mul3A_33 = arith.mulf %slice3A_31, %slice3A_31 : vector<1024x32xf32>
    %add3A_34 = arith.addf %add3A_30, %mul3A_33 : vector<1024x32xf32>
    %slice3A_35 = vector.extract_strided_slice %get3A_3 {offsets = [0, 224], sizes = [1024, 32], strides = [1, 1]} : vector<1024x832xf32> to vector<1024x32xf32>
    %add3A_36 = arith.addf %add3A_32, %slice3A_35 : vector<1024x32xf32>
    %mul3A_37 = arith.mulf %slice3A_35, %slice3A_35 : vector<1024x32xf32>
    %add3A_38 = arith.addf %add3A_34, %mul3A_37 : vector<1024x32xf32>
    %slice3A_39 = vector.extract_strided_slice %get3A_3 {offsets = [0, 256], sizes = [1024, 32], strides = [1, 1]} : vector<1024x832xf32> to vector<1024x32xf32>
    %add3A_40 = arith.addf %add3A_36, %slice3A_39 : vector<1024x32xf32>
    %mul3A_41 = arith.mulf %slice3A_39, %slice3A_39 : vector<1024x32xf32>
    %add3A_42 = arith.addf %add3A_38, %mul3A_41 : vector<1024x32xf32>
    %slice3A_43 = vector.extract_strided_slice %get3A_3 {offsets = [0, 288], sizes = [1024, 32], strides = [1, 1]} : vector<1024x832xf32> to vector<1024x32xf32>
    %add3A_44 = arith.addf %add3A_40, %slice3A_43 : vector<1024x32xf32>
    %mul3A_45 = arith.mulf %slice3A_43, %slice3A_43 : vector<1024x32xf32>
    %add3A_46 = arith.addf %add3A_42, %mul3A_45 : vector<1024x32xf32>
    %slice3A_47 = vector.extract_strided_slice %get3A_3 {offsets = [0, 320], sizes = [1024, 32], strides = [1, 1]} : vector<1024x832xf32> to vector<1024x32xf32>
    %add3A_48 = arith.addf %add3A_44, %slice3A_47 : vector<1024x32xf32>
    %mul3A_49 = arith.mulf %slice3A_47, %slice3A_47 : vector<1024x32xf32>
    %add3A_50 = arith.addf %add3A_46, %mul3A_49 : vector<1024x32xf32>
    %slice3A_51 = vector.extract_strided_slice %get3A_3 {offsets = [0, 352], sizes = [1024, 32], strides = [1, 1]} : vector<1024x832xf32> to vector<1024x32xf32>
    %add3A_52 = arith.addf %add3A_48, %slice3A_51 : vector<1024x32xf32>
    %mul3A_53 = arith.mulf %slice3A_51, %slice3A_51 : vector<1024x32xf32>
    %add3A_54 = arith.addf %add3A_50, %mul3A_53 : vector<1024x32xf32>
    %slice3A_55 = vector.extract_strided_slice %get3A_3 {offsets = [0, 384], sizes = [1024, 32], strides = [1, 1]} : vector<1024x832xf32> to vector<1024x32xf32>
    %add3A_56 = arith.addf %add3A_52, %slice3A_55 : vector<1024x32xf32>
    %mul3A_57 = arith.mulf %slice3A_55, %slice3A_55 : vector<1024x32xf32>
    %add3A_58 = arith.addf %add3A_54, %mul3A_57 : vector<1024x32xf32>
    %slice3A_59 = vector.extract_strided_slice %get3A_3 {offsets = [0, 416], sizes = [1024, 32], strides = [1, 1]} : vector<1024x832xf32> to vector<1024x32xf32>
    %add3A_60 = arith.addf %add3A_56, %slice3A_59 : vector<1024x32xf32>
    %mul3A_61 = arith.mulf %slice3A_59, %slice3A_59 : vector<1024x32xf32>
    %add3A_62 = arith.addf %add3A_58, %mul3A_61 : vector<1024x32xf32>
    %slice3A_63 = vector.extract_strided_slice %get3A_3 {offsets = [0, 448], sizes = [1024, 32], strides = [1, 1]} : vector<1024x832xf32> to vector<1024x32xf32>
    %add3A_64 = arith.addf %add3A_60, %slice3A_63 : vector<1024x32xf32>
    %mul3A_65 = arith.mulf %slice3A_63, %slice3A_63 : vector<1024x32xf32>
    %add3A_66 = arith.addf %add3A_62, %mul3A_65 : vector<1024x32xf32>
    %slice3A_67 = vector.extract_strided_slice %get3A_3 {offsets = [0, 480], sizes = [1024, 32], strides = [1, 1]} : vector<1024x832xf32> to vector<1024x32xf32>
    %add3A_68 = arith.addf %add3A_64, %slice3A_67 : vector<1024x32xf32>
    %mul3A_69 = arith.mulf %slice3A_67, %slice3A_67 : vector<1024x32xf32>
    %add3A_70 = arith.addf %add3A_66, %mul3A_69 : vector<1024x32xf32>
    %slice3A_71 = vector.extract_strided_slice %get3A_3 {offsets = [0, 512], sizes = [1024, 32], strides = [1, 1]} : vector<1024x832xf32> to vector<1024x32xf32>
    %add3A_72 = arith.addf %add3A_68, %slice3A_71 : vector<1024x32xf32>
    %mul3A_73 = arith.mulf %slice3A_71, %slice3A_71 : vector<1024x32xf32>
    %add3A_74 = arith.addf %add3A_70, %mul3A_73 : vector<1024x32xf32>
    %slice3A_75 = vector.extract_strided_slice %get3A_3 {offsets = [0, 544], sizes = [1024, 32], strides = [1, 1]} : vector<1024x832xf32> to vector<1024x32xf32>
    %add3A_76 = arith.addf %add3A_72, %slice3A_75 : vector<1024x32xf32>
    %mul3A_77 = arith.mulf %slice3A_75, %slice3A_75 : vector<1024x32xf32>
    %add3A_78 = arith.addf %add3A_74, %mul3A_77 : vector<1024x32xf32>
    %slice3A_79 = vector.extract_strided_slice %get3A_3 {offsets = [0, 576], sizes = [1024, 32], strides = [1, 1]} : vector<1024x832xf32> to vector<1024x32xf32>
    %add3A_80 = arith.addf %add3A_76, %slice3A_79 : vector<1024x32xf32>
    %mul3A_81 = arith.mulf %slice3A_79, %slice3A_79 : vector<1024x32xf32>
    %add3A_82 = arith.addf %add3A_78, %mul3A_81 : vector<1024x32xf32>
    %slice3A_83 = vector.extract_strided_slice %get3A_3 {offsets = [0, 608], sizes = [1024, 32], strides = [1, 1]} : vector<1024x832xf32> to vector<1024x32xf32>
    %add3A_84 = arith.addf %add3A_80, %slice3A_83 : vector<1024x32xf32>
    %mul3A_85 = arith.mulf %slice3A_83, %slice3A_83 : vector<1024x32xf32>
    %add3A_86 = arith.addf %add3A_82, %mul3A_85 : vector<1024x32xf32>
    %slice3A_87 = vector.extract_strided_slice %get3A_3 {offsets = [0, 640], sizes = [1024, 32], strides = [1, 1]} : vector<1024x832xf32> to vector<1024x32xf32>
    %add3A_88 = arith.addf %add3A_84, %slice3A_87 : vector<1024x32xf32>
    %mul3A_89 = arith.mulf %slice3A_87, %slice3A_87 : vector<1024x32xf32>
    %add3A_90 = arith.addf %add3A_86, %mul3A_89 : vector<1024x32xf32>
    %slice3A_91 = vector.extract_strided_slice %get3A_3 {offsets = [0, 672], sizes = [1024, 32], strides = [1, 1]} : vector<1024x832xf32> to vector<1024x32xf32>
    %add3A_92 = arith.addf %add3A_88, %slice3A_91 : vector<1024x32xf32>
    %mul3A_93 = arith.mulf %slice3A_91, %slice3A_91 : vector<1024x32xf32>
    %add3A_94 = arith.addf %add3A_90, %mul3A_93 : vector<1024x32xf32>
    %slice3A_95 = vector.extract_strided_slice %get3A_3 {offsets = [0, 704], sizes = [1024, 32], strides = [1, 1]} : vector<1024x832xf32> to vector<1024x32xf32>
    %add3A_96 = arith.addf %add3A_92, %slice3A_95 : vector<1024x32xf32>
    %mul3A_97 = arith.mulf %slice3A_95, %slice3A_95 : vector<1024x32xf32>
    %add3A_98 = arith.addf %add3A_94, %mul3A_97 : vector<1024x32xf32>
    %slice3A_99 = vector.extract_strided_slice %get3A_3 {offsets = [0, 736], sizes = [1024, 32], strides = [1, 1]} : vector<1024x832xf32> to vector<1024x32xf32>
    %add3A_100 = arith.addf %add3A_96, %slice3A_99 : vector<1024x32xf32>
    %mul3A_101 = arith.mulf %slice3A_99, %slice3A_99 : vector<1024x32xf32>
    %add3A_102 = arith.addf %add3A_98, %mul3A_101 : vector<1024x32xf32>
    %slice3A_103 = vector.extract_strided_slice %get3A_3 {offsets = [0, 768], sizes = [1024, 32], strides = [1, 1]} : vector<1024x832xf32> to vector<1024x32xf32>
    %add3A_104 = arith.addf %add3A_100, %slice3A_103 : vector<1024x32xf32>
    %mul3A_105 = arith.mulf %slice3A_103, %slice3A_103 : vector<1024x32xf32>
    %add3A_106 = arith.addf %add3A_102, %mul3A_105 : vector<1024x32xf32>
    %slice3A_107 = vector.extract_strided_slice %get3A_3 {offsets = [0, 800], sizes = [1024, 32], strides = [1, 1]} : vector<1024x832xf32> to vector<1024x32xf32>
    %add3A_108 = arith.addf %add3A_104, %slice3A_107 : vector<1024x32xf32>
    %mul3A_109 = arith.mulf %slice3A_107, %slice3A_107 : vector<1024x32xf32>
    %add3A_110 = arith.addf %add3A_106, %mul3A_109 : vector<1024x32xf32>
    %mul3A_111 = arith.mulf %add3A_108, %add3A_108 : vector<1024x32xf32>
    %sub3A = arith.subf %mul3A_111, %add3A_110 : vector<1024x32xf32>
    %mul3A_112 = arith.constant 5.000000e-01 : f32
    %mul3A_113 = vector.broadcast %mul3A_112 : f32 to vector<1024x32xf32>
    %mul3A_114 = arith.mulf %mul3A_113, %sub3A : vector<1024x32xf32>
    %swap3A = arith.constant 0 : index
    %swap3A_115 = arith.constant 0 : index
    %swap3A_116 = vector.load %arg13[%swap3A, %swap3A_115] : memref<1024x32xf32, #tpu.memory_space<vmem>>, vector<1024x32xf32>
    tpu.vector_store %arg13[%swap3A, %swap3A_115], %mul3A_114 {strides = array<i32>} : memref<1024x32xf32, #tpu.memory_space<vmem>>, vector<1024x32xf32>,
    %get3A_117 = arith.constant 0 : index
    %get3A_118 = arith.constant 0 : index
    %get3A_119 = vector.load %arg3[%get3A_117, %get3A_118] : memref<8x832xf32, #tpu.memory_space<vmem>>, vector<8x832xf32>
    %get3A_120 = arith.constant 0 : index
    %get3A_121 = arith.constant 0 : index
    %get3A_122 = vector.load %arg5[%get3A_120, %get3A_121] : memref<1x832xf32, #tpu.memory_space<vmem>>, vector<1x832xf32>
    %get3A_123 = arith.constant 0 : index
    %get3A_124 = arith.constant 0 : index
    %get3A_125 = vector.load %arg6[%get3A_123, %get3A_124] : memref<1x832xf32, #tpu.memory_space<vmem>>, vector<1x832xf32>
    %slice3A_126 = vector.extract_strided_slice %get3A_119 {offsets = [0, 0], sizes = [1, 832], strides = [1, 1]} : vector<8x832xf32> to vector<1x832xf32>
    %mul3A_127 = arith.constant 6.10351563E-5 : f32
    %mul3A_128 = vector.broadcast %mul3A_127 : f32 to vector<1x832xf32>
    %mul3A_129 = arith.mulf %slice3A_126, %mul3A_128 : vector<1x832xf32>
    %slice3A_130 = vector.extract_strided_slice %get3A_119 {offsets = [1, 0], sizes = [1, 832], strides = [1, 1]} : vector<8x832xf32> to vector<1x832xf32>
    %mul3A_131 = arith.constant 6.10351563E-5 : f32
    %mul3A_132 = vector.broadcast %mul3A_131 : f32 to vector<1x832xf32>
    %mul3A_133 = arith.mulf %slice3A_130, %mul3A_132 : vector<1x832xf32>
    %mul3A_134 = arith.mulf %mul3A_129, %mul3A_129 : vector<1x832xf32>
    %sub3A_135 = arith.subf %mul3A_133, %mul3A_134 : vector<1x832xf32>
    %add3A_136 = arith.constant 9.99999974E-6 : f32
    %add3A_137 = vector.broadcast %add3A_136 : f32 to vector<1x832xf32>
    %add3A_138 = arith.addf %sub3A_135, %add3A_137 : vector<1x832xf32>
    %rsqrt3A = math.rsqrt %add3A_138 : vector<1x832xf32>
    %mul3A_139 = arith.mulf %get3A_122, %rsqrt3A : vector<1x832xf32>
    %mul3A_140 = arith.mulf %mul3A_129, %mul3A_139 : vector<1x832xf32>
    %sub3A_141 = arith.subf %get3A_125, %mul3A_140 : vector<1x832xf32>
    %get3A_142 = arith.constant 0 : index
    %get3A_143 = arith.constant 0 : index
    %get3A_144 = vector.load %arg4[%get3A_142, %get3A_143] : memref<8x13xf32, #tpu.memory_space<vmem>>, vector<8x13xf32>
    %get3A_145 = arith.constant 0 : index
    %get3A_146 = arith.constant 0 : index
    %get3A_147 = vector.load %arg7[%get3A_145, %get3A_146] : memref<1x13xf32, #tpu.memory_space<vmem>>, vector<1x13xf32>
    %get3A_148 = arith.constant 0 : index
    %get3A_149 = arith.constant 0 : index
    %get3A_150 = vector.load %arg8[%get3A_148, %get3A_149] : memref<1x13xf32, #tpu.memory_space<vmem>>, vector<1x13xf32>
    %slice3A_151 = vector.extract_strided_slice %get3A_144 {offsets = [0, 0], sizes = [1, 13], strides = [1, 1]} : vector<8x13xf32> to vector<1x13xf32>
    %mul3A_152 = arith.constant 6.10351563E-5 : f32
    %mul3A_153 = vector.broadcast %mul3A_152 : f32 to vector<1x13xf32>
    %mul3A_154 = arith.mulf %slice3A_151, %mul3A_153 : vector<1x13xf32>
    %slice3A_155 = vector.extract_strided_slice %get3A_144 {offsets = [1, 0], sizes = [1, 13], strides = [1, 1]} : vector<8x13xf32> to vector<1x13xf32>
    %mul3A_156 = arith.constant 6.10351563E-5 : f32
    %mul3A_157 = vector.broadcast %mul3A_156 : f32 to vector<1x13xf32>
    %mul3A_158 = arith.mulf %slice3A_155, %mul3A_157 : vector<1x13xf32>
    %mul3A_159 = arith.mulf %mul3A_154, %mul3A_154 : vector<1x13xf32>
    %sub3A_160 = arith.subf %mul3A_158, %mul3A_159 : vector<1x13xf32>
    %add3A_161 = arith.constant 9.99999974E-6 : f32
    %add3A_162 = vector.broadcast %add3A_161 : f32 to vector<1x13xf32>
    %add3A_163 = arith.addf %sub3A_160, %add3A_162 : vector<1x13xf32>
    %rsqrt3A_164 = math.rsqrt %add3A_163 : vector<1x13xf32>
    %mul3A_165 = arith.mulf %get3A_147, %rsqrt3A_164 : vector<1x13xf32>
    %mul3A_166 = arith.mulf %mul3A_154, %mul3A_165 : vector<1x13xf32>
    %sub3A_167 = arith.subf %get3A_150, %mul3A_166 : vector<1x13xf32>
    %mul3A_168 = vector.broadcast %mul3A_139 : vector<1x832xf32> to vector<1024x832xf32>
    %mul3A_169 = arith.mulf %get3A_3, %mul3A_168 : vector<1024x832xf32>
    %add3A_170 = vector.broadcast %sub3A_141 : vector<1x832xf32> to vector<1024x832xf32>
    %add3A_171 = arith.addf %mul3A_169, %add3A_170 : vector<1024x832xf32>
    %convert_element_type3A_172 = arith.truncf %add3A_171 : vector<1024x832xf32> to vector<1024x832xbf16>
    %mul3A_173 = vector.broadcast %mul3A_165 : vector<1x13xf32> to vector<1024x13xf32>
    %mul3A_174 = arith.mulf %get3A_6, %mul3A_173 : vector<1024x13xf32>
    %add3A_175 = vector.broadcast %sub3A_167 : vector<1x13xf32> to vector<1024x13xf32>
    %add3A_176 = arith.addf %mul3A_174, %add3A_175 : vector<1024x13xf32>
    %convert_element_type3A_177 = arith.truncf %add3A_176 : vector<1024x13xf32> to vector<1024x13xbf16>
    %get3A_178 = arith.constant 0 : index
    %get3A_179 = arith.constant 0 : index
    %get3A_180 = vector.load %arg9[%get3A_178, %get3A_179] : memref<832x256xbf16, #tpu.memory_space<vmem>>, vector<832x256xbf16>
    %dot_general3A = arith.constant dense<0.000000e+00> : vector<1024x256xf32>
    %dot_general3A_181 = tpu.matmul %convert_element_type3A_172, %get3A_180, %dot_general3A {dimension_numbers = #tpu.dot_dimension_numbers<[1], [0], [0], [1], [0, 0, 1, 1], [], []>, transpose_lhs_hint = false} : vector<1024x832xbf16>, vector<832x256xbf16>, vector<1024x256xf32> -> vector<1024x256xf32>
    %get3A_182 = arith.constant 0 : index
    %get3A_183 = arith.constant 0 : index
    %get3A_184 = vector.load %arg10[%get3A_182, %get3A_183] : memref<13x256xbf16, #tpu.memory_space<vmem>>, vector<13x256xbf16>
    %dot_general3A_185 = arith.constant dense<0.000000e+00> : vector<1024x256xf32>
    %dot_general3A_186 = tpu.matmul %convert_element_type3A_177, %get3A_184, %dot_general3A_185 {dimension_numbers = #tpu.dot_dimension_numbers<[1], [0], [0], [1], [0, 0, 1, 1], [], []>, transpose_lhs_hint = false} : vector<1024x13xbf16>, vector<13x256xbf16>, vector<1024x256xf32> -> vector<1024x256xf32>
    %add3A_187 = arith.addf %dot_general3A_181, %dot_general3A_186 : vector<1024x256xf32>
    %get3A_188 = arith.constant 0 : index
    %get3A_189 = arith.constant 0 : index
    %get3A_190 = vector.load %arg11[%get3A_188, %get3A_189] : memref<1x256xf32, #tpu.memory_space<vmem>>, vector<1x256xf32>
    %add3A_191 = vector.broadcast %get3A_190 : vector<1x256xf32> to vector<1024x256xf32>
    %add3A_192 = arith.addf %add3A_187, %add3A_191 : vector<1024x256xf32>
    %swap3A_193 = arith.constant 0 : index
    %swap3A_194 = arith.constant 0 : index
    %swap3A_195 = vector.load %arg12[%swap3A_193, %swap3A_194] : memref<1024x256xf32, #tpu.memory_space<vmem>>, vector<1024x256xf32>
    tpu.vector_store %arg12[%swap3A_193, %swap3A_194], %add3A_192 {strides = array<i32>} : memref<1024x256xf32, #tpu.memory_space<vmem>>, vector<1024x256xf32>,
    %get3A_196 = arith.constant 0 : index
    %get3A_197 = arith.constant 0 : index
    %get3A_198 = vector.load %arg14[%get3A_196, %get3A_197] : memref<8x256xf32, #tpu.memory_space<vmem>>, vector<1x256xf32>
    %reduce_sum3A = arith.constant dense<0.000000e+00> : vector<256xf32>
    %reduce_sum3A_199 = vector.multi_reduction <add>, %add3A_192, %reduce_sum3A [0] : vector<1024x256xf32> to vector<256xf32>
    %broadcast_in_dim3A_200 = vector.shape_cast %reduce_sum3A_199 : vector<256xf32> to vector<1x256xf32>
    %add3A_201 = arith.addf %get3A_198, %broadcast_in_dim3A_200 : vector<1x256xf32>
    %swap3A_202 = arith.constant 0 : index
    %swap3A_203 = arith.constant 0 : index
    %swap3A_204 = vector.load %arg14[%swap3A_202, %swap3A_203] : memref<8x256xf32, #tpu.memory_space<vmem>>, vector<1x256xf32>
    tpu.vector_store %arg14[%swap3A_202, %swap3A_203], %add3A_201 {strides = array<i32>} : memref<8x256xf32, #tpu.memory_space<vmem>>, vector<1x256xf32>,
    %get3A_205 = arith.constant 1 : index
    %get3A_206 = arith.constant 0 : index
    %get3A_207 = vector.load %arg14[%get3A_205, %get3A_206] : memref<8x256xf32, #tpu.memory_space<vmem>>, vector<1x256xf32>
    %mul3A_208 = arith.mulf %add3A_192, %add3A_192 : vector<1024x256xf32>
    %reduce_sum3A_209 = arith.constant dense<0.000000e+00> : vector<256xf32>
    %reduce_sum3A_210 = vector.multi_reduction <add>, %mul3A_208, %reduce_sum3A_209 [0] : vector<1024x256xf32> to vector<256xf32>
    %broadcast_in_dim3A_211 = vector.shape_cast %reduce_sum3A_210 : vector<256xf32> to vector<1x256xf32>
    %add3A_212 = arith.addf %get3A_207, %broadcast_in_dim3A_211 : vector<1x256xf32>
    %swap3A_213 = arith.constant 1 : index
    %swap3A_214 = arith.constant 0 : index
    %swap3A_215 = vector.load %arg14[%swap3A_213, %swap3A_214] : memref<8x256xf32, #tpu.memory_space<vmem>>, vector<1x256xf32>
    tpu.vector_store %arg14[%swap3A_213, %swap3A_214], %add3A_212 {strides = array<i32>} : memref<8x256xf32, #tpu.memory_space<vmem>>, vector<1x256xf32>,
    return
  }
  func.func @transform_0(%arg0: i32) -> (i32, i32) {
    %c0_i32 = arith.constant 0 : i32
    %c0_i32_0 = arith.constant 0 : i32
    return %arg0, %c0_i32 : i32, i32
  }
  func.func @transform_1(%arg0: i32) -> (i32, i32) {
    %c0_i32 = arith.constant 0 : i32
    %c0_i32_0 = arith.constant 0 : i32
    return %arg0, %c0_i32 : i32, i32
  }
  func.func @transform_2(%arg0: i32) -> (i32, i32) {
    %c0_i32 = arith.constant 0 : i32
    %c0_i32_0 = arith.constant 0 : i32
    %c0_i32_1 = arith.constant 0 : i32
    return %c0_i32, %c0_i32_0 : i32, i32
  }
  func.func @transform_3(%arg0: i32) -> (i32, i32) {
    %c0_i32 = arith.constant 0 : i32
    %c0_i32_0 = arith.constant 0 : i32
    %c0_i32_1 = arith.constant 0 : i32
    return %c0_i32, %c0_i32_0 : i32, i32
  }
  func.func @transform_4(%arg0: i32) -> (i32, i32) {
    %c0_i32 = arith.constant 0 : i32
    %c0_i32_0 = arith.constant 0 : i32
    %c0_i32_1 = arith.constant 0 : i32
    return %c0_i32, %c0_i32_0 : i32, i32
  }
  func.func @transform_5(%arg0: i32) -> (i32, i32) {
    %c0_i32 = arith.constant 0 : i32
    %c0_i32_0 = arith.constant 0 : i32
    %c0_i32_1 = arith.constant 0 : i32
    return %c0_i32, %c0_i32_0 : i32, i32
  }
  func.func @transform_6(%arg0: i32) -> (i32, i32) {
    %c0_i32 = arith.constant 0 : i32
    %c0_i32_0 = arith.constant 0 : i32
    %c0_i32_1 = arith.constant 0 : i32
    return %c0_i32, %c0_i32_0 : i32, i32
  }
  func.func @transform_7(%arg0: i32) -> (i32, i32) {
    %c0_i32 = arith.constant 0 : i32
    %c0_i32_0 = arith.constant 0 : i32
    %c0_i32_1 = arith.constant 0 : i32
    return %c0_i32, %c0_i32_0 : i32, i32
  }
  func.func @transform_8(%arg0: i32) -> (i32, i32) {
    %c0_i32 = arith.constant 0 : i32
    %c0_i32_0 = arith.constant 0 : i32
    %c0_i32_1 = arith.constant 0 : i32
    return %c0_i32, %c0_i32_0 : i32, i32
  }
  func.func @transform_9(%arg0: i32) -> (i32, i32) {
    %c0_i32 = arith.constant 0 : i32
    %c0_i32_0 = arith.constant 0 : i32
    %c0_i32_1 = arith.constant 0 : i32
    return %c0_i32, %c0_i32_0 : i32, i32
  }
  func.func @transform_10(%arg0: i32) -> (i32, i32) {
    %c0_i32 = arith.constant 0 : i32
    %c0_i32_0 = arith.constant 0 : i32
    %c0_i32_1 = arith.constant 0 : i32
    return %c0_i32, %c0_i32_0 : i32, i32
  }
  func.func @transform_11(%arg0: i32) -> (i32, i32) {
    %c0_i32 = arith.constant 0 : i32
    %c0_i32_0 = arith.constant 0 : i32
    return %arg0, %c0_i32 : i32, i32
  }
  func.func @transform_12(%arg0: i32) -> (i32, i32) {
    %c0_i32 = arith.constant 0 : i32
    %c0_i32_0 = arith.constant 0 : i32
    return %arg0, %c0_i32 : i32, i32
  }
  func.func @transform_13(%arg0: i32) -> (i32, i32) {
    %c0_i32 = arith.constant 0 : i32
    %c0_i32_0 = arith.constant 0 : i32
    %c0_i32_1 = arith.constant 0 : i32
    return %c0_i32, %c0_i32_0 : i32, i32
  }
}

module attributes {stable_mosaic.version = 14 : i64} {
  func.func @_h2_body(%arg0: i32, %arg1: memref<1024x256xf32, #tpu.memory_space<vmem>>, %arg2: memref<8x256xf32, #tpu.memory_space<vmem>>, %arg3: memref<1x256xf32, #tpu.memory_space<vmem>>, %arg4: memref<1x256xf32, #tpu.memory_space<vmem>>, %arg5: memref<256x128xbf16, #tpu.memory_space<vmem>>, %arg6: memref<1x128xf32, #tpu.memory_space<vmem>>, %arg7: memref<1024x128xf32, #tpu.memory_space<vmem>>, %arg8: memref<8x128xf32, #tpu.memory_space<vmem>>) attributes {dimension_semantics = [#tpu.dimension_semantics<arbitrary>], iteration_bounds = array<i64: 16>, scalar_prefetch = 0 : i64, scratch_operands = 0 : i64, tpu.core_type = #tpu.core_type<tc>, window_params = [{transform_indices = @transform_0, window_bounds = array<i64: 1024, 256>}, {pipeline_mode = #tpu.pipeline_mode<synchronous>, transform_indices = @transform_1, window_bounds = array<i64: 8, 256>}, {pipeline_mode = #tpu.pipeline_mode<synchronous>, transform_indices = @transform_2, window_bounds = array<i64: 1, 256>}, {pipeline_mode = #tpu.pipeline_mode<synchronous>, transform_indices = @transform_3, window_bounds = array<i64: 1, 256>}, {pipeline_mode = #tpu.pipeline_mode<synchronous>, transform_indices = @transform_4, window_bounds = array<i64: 256, 128>}, {pipeline_mode = #tpu.pipeline_mode<synchronous>, transform_indices = @transform_5, window_bounds = array<i64: 1, 128>}, {transform_indices = @transform_6, window_bounds = array<i64: 1024, 128>}, {pipeline_mode = #tpu.pipeline_mode<synchronous>, transform_indices = @transform_7, window_bounds = array<i64: 8, 128>}]} {
    %eq3A = arith.constant 0 : i32
    %eq3A_0 = arith.cmpi eq, %arg0, %eq3A : i32
    %convert_element_type3A = arith.extui %eq3A_0 : i1 to i32
    %cond3A = arith.constant 0 : i32
    %cond3A_1 = arith.cmpi ne, %convert_element_type3A, %cond3A : i32
    scf.if %cond3A_1 {
      %broadcast_in_dim3A_60 = arith.constant 0.000000e+00 : f32
      %broadcast_in_dim3A_61 = vector.broadcast %broadcast_in_dim3A_60 : f32 to vector<8x128xf32>
      %swap3A_62 = arith.constant 0 : index
      %swap3A_63 = arith.constant 0 : index
      %swap3A_64 = vector.load %arg8[%swap3A_62, %swap3A_63] : memref<8x128xf32, #tpu.memory_space<vmem>>, vector<8x128xf32>
      tpu.vector_store %arg8[%swap3A_62, %swap3A_63], %broadcast_in_dim3A_61 {strides = array<i32>} : memref<8x128xf32, #tpu.memory_space<vmem>>, vector<8x128xf32>,
    } else {
    }
    %get3A = arith.constant 0 : index
    %get3A_2 = arith.constant 0 : index
    %get3A_3 = vector.load %arg2[%get3A, %get3A_2] : memref<8x256xf32, #tpu.memory_space<vmem>>, vector<8x256xf32>
    %get3A_4 = arith.constant 0 : index
    %get3A_5 = arith.constant 0 : index
    %get3A_6 = vector.load %arg3[%get3A_4, %get3A_5] : memref<1x256xf32, #tpu.memory_space<vmem>>, vector<1x256xf32>
    %get3A_7 = arith.constant 0 : index
    %get3A_8 = arith.constant 0 : index
    %get3A_9 = vector.load %arg4[%get3A_7, %get3A_8] : memref<1x256xf32, #tpu.memory_space<vmem>>, vector<1x256xf32>
    %slice3A = vector.extract_strided_slice %get3A_3 {offsets = [0, 0], sizes = [1, 256], strides = [1, 1]} : vector<8x256xf32> to vector<1x256xf32>
    %mul3A = arith.constant 6.10351563E-5 : f32
    %mul3A_10 = vector.broadcast %mul3A : f32 to vector<1x256xf32>
    %mul3A_11 = arith.mulf %slice3A, %mul3A_10 : vector<1x256xf32>
    %slice3A_12 = vector.extract_strided_slice %get3A_3 {offsets = [1, 0], sizes = [1, 256], strides = [1, 1]} : vector<8x256xf32> to vector<1x256xf32>
    %mul3A_13 = arith.constant 6.10351563E-5 : f32
    %mul3A_14 = vector.broadcast %mul3A_13 : f32 to vector<1x256xf32>
    %mul3A_15 = arith.mulf %slice3A_12, %mul3A_14 : vector<1x256xf32>
    %mul3A_16 = arith.mulf %mul3A_11, %mul3A_11 : vector<1x256xf32>
    %sub3A = arith.subf %mul3A_15, %mul3A_16 : vector<1x256xf32>
    %add3A = arith.constant 9.99999974E-6 : f32
    %add3A_17 = vector.broadcast %add3A : f32 to vector<1x256xf32>
    %add3A_18 = arith.addf %sub3A, %add3A_17 : vector<1x256xf32>
    %rsqrt3A = math.rsqrt %add3A_18 : vector<1x256xf32>
    %mul3A_19 = arith.mulf %get3A_6, %rsqrt3A : vector<1x256xf32>
    %mul3A_20 = arith.mulf %mul3A_11, %mul3A_19 : vector<1x256xf32>
    %sub3A_21 = arith.subf %get3A_9, %mul3A_20 : vector<1x256xf32>
    %get3A_22 = arith.constant 0 : index
    %get3A_23 = arith.constant 0 : index
    %get3A_24 = vector.load %arg1[%get3A_22, %get3A_23] : memref<1024x256xf32, #tpu.memory_space<vmem>>, vector<1024x256xf32>
    %mul3A_25 = vector.broadcast %mul3A_19 : vector<1x256xf32> to vector<1024x256xf32>
    %mul3A_26 = arith.mulf %get3A_24, %mul3A_25 : vector<1024x256xf32>
    %add3A_27 = vector.broadcast %sub3A_21 : vector<1x256xf32> to vector<1024x256xf32>
    %add3A_28 = arith.addf %mul3A_26, %add3A_27 : vector<1024x256xf32>
    %convert_element_type3A_29 = arith.truncf %add3A_28 : vector<1024x256xf32> to vector<1024x256xbf16>
    %get3A_30 = arith.constant 0 : index
    %get3A_31 = arith.constant 0 : index
    %get3A_32 = vector.load %arg5[%get3A_30, %get3A_31] : memref<256x128xbf16, #tpu.memory_space<vmem>>, vector<256x128xbf16>
    %dot_general3A = arith.constant dense<0.000000e+00> : vector<1024x128xf32>
    %dot_general3A_33 = tpu.matmul %convert_element_type3A_29, %get3A_32, %dot_general3A {dimension_numbers = #tpu.dot_dimension_numbers<[1], [0], [0], [1], [0, 0, 1, 1], [], []>, transpose_lhs_hint = false} : vector<1024x256xbf16>, vector<256x128xbf16>, vector<1024x128xf32> -> vector<1024x128xf32>
    %get3A_34 = arith.constant 0 : index
    %get3A_35 = arith.constant 0 : index
    %get3A_36 = vector.load %arg6[%get3A_34, %get3A_35] : memref<1x128xf32, #tpu.memory_space<vmem>>, vector<1x128xf32>
    %add3A_37 = vector.broadcast %get3A_36 : vector<1x128xf32> to vector<1024x128xf32>
    %add3A_38 = arith.addf %dot_general3A_33, %add3A_37 : vector<1024x128xf32>
    %swap3A = arith.constant 0 : index
    %swap3A_39 = arith.constant 0 : index
    %swap3A_40 = vector.load %arg7[%swap3A, %swap3A_39] : memref<1024x128xf32, #tpu.memory_space<vmem>>, vector<1024x128xf32>
    tpu.vector_store %arg7[%swap3A, %swap3A_39], %add3A_38 {strides = array<i32>} : memref<1024x128xf32, #tpu.memory_space<vmem>>, vector<1024x128xf32>,
    %get3A_41 = arith.constant 0 : index
    %get3A_42 = arith.constant 0 : index
    %get3A_43 = vector.load %arg8[%get3A_41, %get3A_42] : memref<8x128xf32, #tpu.memory_space<vmem>>, vector<1x128xf32>
    %reduce_sum3A = arith.constant dense<0.000000e+00> : vector<128xf32>
    %reduce_sum3A_44 = vector.multi_reduction <add>, %add3A_38, %reduce_sum3A [0] : vector<1024x128xf32> to vector<128xf32>
    %broadcast_in_dim3A = vector.shape_cast %reduce_sum3A_44 : vector<128xf32> to vector<1x128xf32>
    %add3A_45 = arith.addf %get3A_43, %broadcast_in_dim3A : vector<1x128xf32>
    %swap3A_46 = arith.constant 0 : index
    %swap3A_47 = arith.constant 0 : index
    %swap3A_48 = vector.load %arg8[%swap3A_46, %swap3A_47] : memref<8x128xf32, #tpu.memory_space<vmem>>, vector<1x128xf32>
    tpu.vector_store %arg8[%swap3A_46, %swap3A_47], %add3A_45 {strides = array<i32>} : memref<8x128xf32, #tpu.memory_space<vmem>>, vector<1x128xf32>,
    %get3A_49 = arith.constant 1 : index
    %get3A_50 = arith.constant 0 : index
    %get3A_51 = vector.load %arg8[%get3A_49, %get3A_50] : memref<8x128xf32, #tpu.memory_space<vmem>>, vector<1x128xf32>
    %mul3A_52 = arith.mulf %add3A_38, %add3A_38 : vector<1024x128xf32>
    %reduce_sum3A_53 = arith.constant dense<0.000000e+00> : vector<128xf32>
    %reduce_sum3A_54 = vector.multi_reduction <add>, %mul3A_52, %reduce_sum3A_53 [0] : vector<1024x128xf32> to vector<128xf32>
    %broadcast_in_dim3A_55 = vector.shape_cast %reduce_sum3A_54 : vector<128xf32> to vector<1x128xf32>
    %add3A_56 = arith.addf %get3A_51, %broadcast_in_dim3A_55 : vector<1x128xf32>
    %swap3A_57 = arith.constant 1 : index
    %swap3A_58 = arith.constant 0 : index
    %swap3A_59 = vector.load %arg8[%swap3A_57, %swap3A_58] : memref<8x128xf32, #tpu.memory_space<vmem>>, vector<1x128xf32>
    tpu.vector_store %arg8[%swap3A_57, %swap3A_58], %add3A_56 {strides = array<i32>} : memref<8x128xf32, #tpu.memory_space<vmem>>, vector<1x128xf32>,
    return
  }
  func.func @transform_0(%arg0: i32) -> (i32, i32) {
    %c0_i32 = arith.constant 0 : i32
    %c0_i32_0 = arith.constant 0 : i32
    return %arg0, %c0_i32 : i32, i32
  }
  func.func @transform_1(%arg0: i32) -> (i32, i32) {
    %c0_i32 = arith.constant 0 : i32
    %c0_i32_0 = arith.constant 0 : i32
    %c0_i32_1 = arith.constant 0 : i32
    return %c0_i32, %c0_i32_0 : i32, i32
  }
  func.func @transform_2(%arg0: i32) -> (i32, i32) {
    %c0_i32 = arith.constant 0 : i32
    %c0_i32_0 = arith.constant 0 : i32
    %c0_i32_1 = arith.constant 0 : i32
    return %c0_i32, %c0_i32_0 : i32, i32
  }
  func.func @transform_3(%arg0: i32) -> (i32, i32) {
    %c0_i32 = arith.constant 0 : i32
    %c0_i32_0 = arith.constant 0 : i32
    %c0_i32_1 = arith.constant 0 : i32
    return %c0_i32, %c0_i32_0 : i32, i32
  }
  func.func @transform_4(%arg0: i32) -> (i32, i32) {
    %c0_i32 = arith.constant 0 : i32
    %c0_i32_0 = arith.constant 0 : i32
    %c0_i32_1 = arith.constant 0 : i32
    return %c0_i32, %c0_i32_0 : i32, i32
  }
  func.func @transform_5(%arg0: i32) -> (i32, i32) {
    %c0_i32 = arith.constant 0 : i32
    %c0_i32_0 = arith.constant 0 : i32
    %c0_i32_1 = arith.constant 0 : i32
    return %c0_i32, %c0_i32_0 : i32, i32
  }
  func.func @transform_6(%arg0: i32) -> (i32, i32) {
    %c0_i32 = arith.constant 0 : i32
    %c0_i32_0 = arith.constant 0 : i32
    return %arg0, %c0_i32 : i32, i32
  }
  func.func @transform_7(%arg0: i32) -> (i32, i32) {
    %c0_i32 = arith.constant 0 : i32
    %c0_i32_0 = arith.constant 0 : i32
    %c0_i32_1 = arith.constant 0 : i32
    return %c0_i32, %c0_i32_0 : i32, i32
  }
}

module attributes {stable_mosaic.version = 14 : i64} {
  func.func @_out_body(%arg0: i32, %arg1: memref<1024x128xf32, #tpu.memory_space<vmem>>, %arg2: memref<8x128xf32, #tpu.memory_space<vmem>>, %arg3: memref<1x128xf32, #tpu.memory_space<vmem>>, %arg4: memref<1x128xf32, #tpu.memory_space<vmem>>, %arg5: memref<1024x832xf32, #tpu.memory_space<vmem>>, %arg6: memref<1024x26xi32, #tpu.memory_space<vmem>>, %arg7: memref<1024x32xf32, #tpu.memory_space<vmem>>, %arg8: memref<1x832xf32, #tpu.memory_space<vmem>>, %arg9: memref<1x32xf32, #tpu.memory_space<vmem>>, %arg10: memref<1x128xf32, #tpu.memory_space<vmem>>, %arg11: memref<1x1xf32, #tpu.memory_space<vmem>>, %arg12: memref<1024x1xf32, #tpu.memory_space<vmem>>) attributes {dimension_semantics = [#tpu.dimension_semantics<arbitrary>], iteration_bounds = array<i64: 16>, scalar_prefetch = 0 : i64, scratch_operands = 0 : i64, tpu.core_type = #tpu.core_type<tc>, window_params = [{transform_indices = @transform_0, window_bounds = array<i64: 1024, 128>}, {pipeline_mode = #tpu.pipeline_mode<synchronous>, transform_indices = @transform_1, window_bounds = array<i64: 8, 128>}, {pipeline_mode = #tpu.pipeline_mode<synchronous>, transform_indices = @transform_2, window_bounds = array<i64: 1, 128>}, {pipeline_mode = #tpu.pipeline_mode<synchronous>, transform_indices = @transform_3, window_bounds = array<i64: 1, 128>}, {transform_indices = @transform_4, window_bounds = array<i64: 1024, 832>}, {transform_indices = @transform_5, window_bounds = array<i64: 1024, 26>}, {transform_indices = @transform_6, window_bounds = array<i64: 1024, 32>}, {pipeline_mode = #tpu.pipeline_mode<synchronous>, transform_indices = @transform_7, window_bounds = array<i64: 1, 832>}, {pipeline_mode = #tpu.pipeline_mode<synchronous>, transform_indices = @transform_8, window_bounds = array<i64: 1, 32>}, {pipeline_mode = #tpu.pipeline_mode<synchronous>, transform_indices = @transform_9, window_bounds = array<i64: 1, 128>}, {pipeline_mode = #tpu.pipeline_mode<synchronous>, transform_indices = @transform_10, window_bounds = array<i64: 1, 1>}, {transform_indices = @transform_11, window_bounds = array<i64: 1024, 1>}]} {
    %get3A = arith.constant 0 : index
    %get3A_0 = arith.constant 0 : index
    %get3A_1 = vector.load %arg2[%get3A, %get3A_0] : memref<8x128xf32, #tpu.memory_space<vmem>>, vector<8x128xf32>
    %get3A_2 = arith.constant 0 : index
    %get3A_3 = arith.constant 0 : index
    %get3A_4 = vector.load %arg3[%get3A_2, %get3A_3] : memref<1x128xf32, #tpu.memory_space<vmem>>, vector<1x128xf32>
    %get3A_5 = arith.constant 0 : index
    %get3A_6 = arith.constant 0 : index
    %get3A_7 = vector.load %arg4[%get3A_5, %get3A_6] : memref<1x128xf32, #tpu.memory_space<vmem>>, vector<1x128xf32>
    %slice3A = vector.extract_strided_slice %get3A_1 {offsets = [0, 0], sizes = [1, 128], strides = [1, 1]} : vector<8x128xf32> to vector<1x128xf32>
    %mul3A = arith.constant 6.10351563E-5 : f32
    %mul3A_8 = vector.broadcast %mul3A : f32 to vector<1x128xf32>
    %mul3A_9 = arith.mulf %slice3A, %mul3A_8 : vector<1x128xf32>
    %slice3A_10 = vector.extract_strided_slice %get3A_1 {offsets = [1, 0], sizes = [1, 128], strides = [1, 1]} : vector<8x128xf32> to vector<1x128xf32>
    %mul3A_11 = arith.constant 6.10351563E-5 : f32
    %mul3A_12 = vector.broadcast %mul3A_11 : f32 to vector<1x128xf32>
    %mul3A_13 = arith.mulf %slice3A_10, %mul3A_12 : vector<1x128xf32>
    %mul3A_14 = arith.mulf %mul3A_9, %mul3A_9 : vector<1x128xf32>
    %sub3A = arith.subf %mul3A_13, %mul3A_14 : vector<1x128xf32>
    %add3A = arith.constant 9.99999974E-6 : f32
    %add3A_15 = vector.broadcast %add3A : f32 to vector<1x128xf32>
    %add3A_16 = arith.addf %sub3A, %add3A_15 : vector<1x128xf32>
    %rsqrt3A = math.rsqrt %add3A_16 : vector<1x128xf32>
    %mul3A_17 = arith.mulf %get3A_4, %rsqrt3A : vector<1x128xf32>
    %mul3A_18 = arith.mulf %mul3A_9, %mul3A_17 : vector<1x128xf32>
    %sub3A_19 = arith.subf %get3A_7, %mul3A_18 : vector<1x128xf32>
    %get3A_20 = arith.constant 0 : index
    %get3A_21 = arith.constant 0 : index
    %get3A_22 = vector.load %arg1[%get3A_20, %get3A_21] : memref<1024x128xf32, #tpu.memory_space<vmem>>, vector<1024x128xf32>
    %mul3A_23 = vector.broadcast %mul3A_17 : vector<1x128xf32> to vector<1024x128xf32>
    %mul3A_24 = arith.mulf %get3A_22, %mul3A_23 : vector<1024x128xf32>
    %add3A_25 = vector.broadcast %sub3A_19 : vector<1x128xf32> to vector<1024x128xf32>
    %add3A_26 = arith.addf %mul3A_24, %add3A_25 : vector<1024x128xf32>
    %get3A_27 = arith.constant 0 : index
    %get3A_28 = arith.constant 0 : index
    %get3A_29 = vector.load %arg6[%get3A_27, %get3A_28] : memref<1024x26xi32, #tpu.memory_space<vmem>>, vector<1024x26xi32>
    %slice3A_30 = vector.extract_strided_slice %get3A_29 {offsets = [0, 0], sizes = [1024, 1], strides = [1, 1]} : vector<1024x26xi32> to vector<1024x1xi32>
    %broadcast_in_dim3A = vector.shape_cast %slice3A_30 : vector<1024x1xi32> to vector<1024x1xi32>
    %broadcast_in_dim3A_31 = vector.broadcast %broadcast_in_dim3A : vector<1024x1xi32> to vector<1024x32xi32>
    %slice3A_32 = vector.extract_strided_slice %get3A_29 {offsets = [0, 1], sizes = [1024, 1], strides = [1, 1]} : vector<1024x26xi32> to vector<1024x1xi32>
    %broadcast_in_dim3A_33 = vector.shape_cast %slice3A_32 : vector<1024x1xi32> to vector<1024x1xi32>
    %broadcast_in_dim3A_34 = vector.broadcast %broadcast_in_dim3A_33 : vector<1024x1xi32> to vector<1024x32xi32>
    %slice3A_35 = vector.extract_strided_slice %get3A_29 {offsets = [0, 2], sizes = [1024, 1], strides = [1, 1]} : vector<1024x26xi32> to vector<1024x1xi32>
    %broadcast_in_dim3A_36 = vector.shape_cast %slice3A_35 : vector<1024x1xi32> to vector<1024x1xi32>
    %broadcast_in_dim3A_37 = vector.broadcast %broadcast_in_dim3A_36 : vector<1024x1xi32> to vector<1024x32xi32>
    %slice3A_38 = vector.extract_strided_slice %get3A_29 {offsets = [0, 3], sizes = [1024, 1], strides = [1, 1]} : vector<1024x26xi32> to vector<1024x1xi32>
    %broadcast_in_dim3A_39 = vector.shape_cast %slice3A_38 : vector<1024x1xi32> to vector<1024x1xi32>
    %broadcast_in_dim3A_40 = vector.broadcast %broadcast_in_dim3A_39 : vector<1024x1xi32> to vector<1024x32xi32>
    %slice3A_41 = vector.extract_strided_slice %get3A_29 {offsets = [0, 4], sizes = [1024, 1], strides = [1, 1]} : vector<1024x26xi32> to vector<1024x1xi32>
    %broadcast_in_dim3A_42 = vector.shape_cast %slice3A_41 : vector<1024x1xi32> to vector<1024x1xi32>
    %broadcast_in_dim3A_43 = vector.broadcast %broadcast_in_dim3A_42 : vector<1024x1xi32> to vector<1024x32xi32>
    %slice3A_44 = vector.extract_strided_slice %get3A_29 {offsets = [0, 5], sizes = [1024, 1], strides = [1, 1]} : vector<1024x26xi32> to vector<1024x1xi32>
    %broadcast_in_dim3A_45 = vector.shape_cast %slice3A_44 : vector<1024x1xi32> to vector<1024x1xi32>
    %broadcast_in_dim3A_46 = vector.broadcast %broadcast_in_dim3A_45 : vector<1024x1xi32> to vector<1024x32xi32>
    %slice3A_47 = vector.extract_strided_slice %get3A_29 {offsets = [0, 6], sizes = [1024, 1], strides = [1, 1]} : vector<1024x26xi32> to vector<1024x1xi32>
    %broadcast_in_dim3A_48 = vector.shape_cast %slice3A_47 : vector<1024x1xi32> to vector<1024x1xi32>
    %broadcast_in_dim3A_49 = vector.broadcast %broadcast_in_dim3A_48 : vector<1024x1xi32> to vector<1024x32xi32>
    %slice3A_50 = vector.extract_strided_slice %get3A_29 {offsets = [0, 7], sizes = [1024, 1], strides = [1, 1]} : vector<1024x26xi32> to vector<1024x1xi32>
    %broadcast_in_dim3A_51 = vector.shape_cast %slice3A_50 : vector<1024x1xi32> to vector<1024x1xi32>
    %broadcast_in_dim3A_52 = vector.broadcast %broadcast_in_dim3A_51 : vector<1024x1xi32> to vector<1024x32xi32>
    %slice3A_53 = vector.extract_strided_slice %get3A_29 {offsets = [0, 8], sizes = [1024, 1], strides = [1, 1]} : vector<1024x26xi32> to vector<1024x1xi32>
    %broadcast_in_dim3A_54 = vector.shape_cast %slice3A_53 : vector<1024x1xi32> to vector<1024x1xi32>
    %broadcast_in_dim3A_55 = vector.broadcast %broadcast_in_dim3A_54 : vector<1024x1xi32> to vector<1024x32xi32>
    %slice3A_56 = vector.extract_strided_slice %get3A_29 {offsets = [0, 9], sizes = [1024, 1], strides = [1, 1]} : vector<1024x26xi32> to vector<1024x1xi32>
    %broadcast_in_dim3A_57 = vector.shape_cast %slice3A_56 : vector<1024x1xi32> to vector<1024x1xi32>
    %broadcast_in_dim3A_58 = vector.broadcast %broadcast_in_dim3A_57 : vector<1024x1xi32> to vector<1024x32xi32>
    %slice3A_59 = vector.extract_strided_slice %get3A_29 {offsets = [0, 10], sizes = [1024, 1], strides = [1, 1]} : vector<1024x26xi32> to vector<1024x1xi32>
    %broadcast_in_dim3A_60 = vector.shape_cast %slice3A_59 : vector<1024x1xi32> to vector<1024x1xi32>
    %broadcast_in_dim3A_61 = vector.broadcast %broadcast_in_dim3A_60 : vector<1024x1xi32> to vector<1024x32xi32>
    %slice3A_62 = vector.extract_strided_slice %get3A_29 {offsets = [0, 11], sizes = [1024, 1], strides = [1, 1]} : vector<1024x26xi32> to vector<1024x1xi32>
    %broadcast_in_dim3A_63 = vector.shape_cast %slice3A_62 : vector<1024x1xi32> to vector<1024x1xi32>
    %broadcast_in_dim3A_64 = vector.broadcast %broadcast_in_dim3A_63 : vector<1024x1xi32> to vector<1024x32xi32>
    %slice3A_65 = vector.extract_strided_slice %get3A_29 {offsets = [0, 12], sizes = [1024, 1], strides = [1, 1]} : vector<1024x26xi32> to vector<1024x1xi32>
    %broadcast_in_dim3A_66 = vector.shape_cast %slice3A_65 : vector<1024x1xi32> to vector<1024x1xi32>
    %broadcast_in_dim3A_67 = vector.broadcast %broadcast_in_dim3A_66 : vector<1024x1xi32> to vector<1024x32xi32>
    %slice3A_68 = vector.extract_strided_slice %get3A_29 {offsets = [0, 13], sizes = [1024, 1], strides = [1, 1]} : vector<1024x26xi32> to vector<1024x1xi32>
    %broadcast_in_dim3A_69 = vector.shape_cast %slice3A_68 : vector<1024x1xi32> to vector<1024x1xi32>
    %broadcast_in_dim3A_70 = vector.broadcast %broadcast_in_dim3A_69 : vector<1024x1xi32> to vector<1024x32xi32>
    %slice3A_71 = vector.extract_strided_slice %get3A_29 {offsets = [0, 14], sizes = [1024, 1], strides = [1, 1]} : vector<1024x26xi32> to vector<1024x1xi32>
    %broadcast_in_dim3A_72 = vector.shape_cast %slice3A_71 : vector<1024x1xi32> to vector<1024x1xi32>
    %broadcast_in_dim3A_73 = vector.broadcast %broadcast_in_dim3A_72 : vector<1024x1xi32> to vector<1024x32xi32>
    %slice3A_74 = vector.extract_strided_slice %get3A_29 {offsets = [0, 15], sizes = [1024, 1], strides = [1, 1]} : vector<1024x26xi32> to vector<1024x1xi32>
    %broadcast_in_dim3A_75 = vector.shape_cast %slice3A_74 : vector<1024x1xi32> to vector<1024x1xi32>
    %broadcast_in_dim3A_76 = vector.broadcast %broadcast_in_dim3A_75 : vector<1024x1xi32> to vector<1024x32xi32>
    %slice3A_77 = vector.extract_strided_slice %get3A_29 {offsets = [0, 16], sizes = [1024, 1], strides = [1, 1]} : vector<1024x26xi32> to vector<1024x1xi32>
    %broadcast_in_dim3A_78 = vector.shape_cast %slice3A_77 : vector<1024x1xi32> to vector<1024x1xi32>
    %broadcast_in_dim3A_79 = vector.broadcast %broadcast_in_dim3A_78 : vector<1024x1xi32> to vector<1024x32xi32>
    %slice3A_80 = vector.extract_strided_slice %get3A_29 {offsets = [0, 17], sizes = [1024, 1], strides = [1, 1]} : vector<1024x26xi32> to vector<1024x1xi32>
    %broadcast_in_dim3A_81 = vector.shape_cast %slice3A_80 : vector<1024x1xi32> to vector<1024x1xi32>
    %broadcast_in_dim3A_82 = vector.broadcast %broadcast_in_dim3A_81 : vector<1024x1xi32> to vector<1024x32xi32>
    %slice3A_83 = vector.extract_strided_slice %get3A_29 {offsets = [0, 18], sizes = [1024, 1], strides = [1, 1]} : vector<1024x26xi32> to vector<1024x1xi32>
    %broadcast_in_dim3A_84 = vector.shape_cast %slice3A_83 : vector<1024x1xi32> to vector<1024x1xi32>
    %broadcast_in_dim3A_85 = vector.broadcast %broadcast_in_dim3A_84 : vector<1024x1xi32> to vector<1024x32xi32>
    %slice3A_86 = vector.extract_strided_slice %get3A_29 {offsets = [0, 19], sizes = [1024, 1], strides = [1, 1]} : vector<1024x26xi32> to vector<1024x1xi32>
    %broadcast_in_dim3A_87 = vector.shape_cast %slice3A_86 : vector<1024x1xi32> to vector<1024x1xi32>
    %broadcast_in_dim3A_88 = vector.broadcast %broadcast_in_dim3A_87 : vector<1024x1xi32> to vector<1024x32xi32>
    %slice3A_89 = vector.extract_strided_slice %get3A_29 {offsets = [0, 20], sizes = [1024, 1], strides = [1, 1]} : vector<1024x26xi32> to vector<1024x1xi32>
    %broadcast_in_dim3A_90 = vector.shape_cast %slice3A_89 : vector<1024x1xi32> to vector<1024x1xi32>
    %broadcast_in_dim3A_91 = vector.broadcast %broadcast_in_dim3A_90 : vector<1024x1xi32> to vector<1024x32xi32>
    %slice3A_92 = vector.extract_strided_slice %get3A_29 {offsets = [0, 21], sizes = [1024, 1], strides = [1, 1]} : vector<1024x26xi32> to vector<1024x1xi32>
    %broadcast_in_dim3A_93 = vector.shape_cast %slice3A_92 : vector<1024x1xi32> to vector<1024x1xi32>
    %broadcast_in_dim3A_94 = vector.broadcast %broadcast_in_dim3A_93 : vector<1024x1xi32> to vector<1024x32xi32>
    %slice3A_95 = vector.extract_strided_slice %get3A_29 {offsets = [0, 22], sizes = [1024, 1], strides = [1, 1]} : vector<1024x26xi32> to vector<1024x1xi32>
    %broadcast_in_dim3A_96 = vector.shape_cast %slice3A_95 : vector<1024x1xi32> to vector<1024x1xi32>
    %broadcast_in_dim3A_97 = vector.broadcast %broadcast_in_dim3A_96 : vector<1024x1xi32> to vector<1024x32xi32>
    %slice3A_98 = vector.extract_strided_slice %get3A_29 {offsets = [0, 23], sizes = [1024, 1], strides = [1, 1]} : vector<1024x26xi32> to vector<1024x1xi32>
    %broadcast_in_dim3A_99 = vector.shape_cast %slice3A_98 : vector<1024x1xi32> to vector<1024x1xi32>
    %broadcast_in_dim3A_100 = vector.broadcast %broadcast_in_dim3A_99 : vector<1024x1xi32> to vector<1024x32xi32>
    %slice3A_101 = vector.extract_strided_slice %get3A_29 {offsets = [0, 24], sizes = [1024, 1], strides = [1, 1]} : vector<1024x26xi32> to vector<1024x1xi32>
    %broadcast_in_dim3A_102 = vector.shape_cast %slice3A_101 : vector<1024x1xi32> to vector<1024x1xi32>
    %broadcast_in_dim3A_103 = vector.broadcast %broadcast_in_dim3A_102 : vector<1024x1xi32> to vector<1024x32xi32>
    %slice3A_104 = vector.extract_strided_slice %get3A_29 {offsets = [0, 25], sizes = [1024, 1], strides = [1, 1]} : vector<1024x26xi32> to vector<1024x1xi32>
    %broadcast_in_dim3A_105 = vector.shape_cast %slice3A_104 : vector<1024x1xi32> to vector<1024x1xi32>
    %broadcast_in_dim3A_106 = vector.broadcast %broadcast_in_dim3A_105 : vector<1024x1xi32> to vector<1024x32xi32>
    %concatenate3A = tpu.concatenate %broadcast_in_dim3A_31, %broadcast_in_dim3A_34, %broadcast_in_dim3A_37, %broadcast_in_dim3A_40, %broadcast_in_dim3A_43, %broadcast_in_dim3A_46, %broadcast_in_dim3A_49, %broadcast_in_dim3A_52, %broadcast_in_dim3A_55, %broadcast_in_dim3A_58, %broadcast_in_dim3A_61, %broadcast_in_dim3A_64, %broadcast_in_dim3A_67, %broadcast_in_dim3A_70, %broadcast_in_dim3A_73, %broadcast_in_dim3A_76, %broadcast_in_dim3A_79, %broadcast_in_dim3A_82, %broadcast_in_dim3A_85, %broadcast_in_dim3A_88, %broadcast_in_dim3A_91, %broadcast_in_dim3A_94, %broadcast_in_dim3A_97, %broadcast_in_dim3A_100, %broadcast_in_dim3A_103, %broadcast_in_dim3A_106 in 1 : vector<1024x32xi32>, vector<1024x32xi32>, vector<1024x32xi32>, vector<1024x32xi32>, vector<1024x32xi32>, vector<1024x32xi32>, vector<1024x32xi32>, vector<1024x32xi32>, vector<1024x32xi32>, vector<1024x32xi32>, vector<1024x32xi32>, vector<1024x32xi32>, vector<1024x32xi32>, vector<1024x32xi32>, vector<1024x32xi32>, vector<1024x32xi32>, vector<1024x32xi32>, vector<1024x32xi32>, vector<1024x32xi32>, vector<1024x32xi32>, vector<1024x32xi32>, vector<1024x32xi32>, vector<1024x32xi32>, vector<1024x32xi32>, vector<1024x32xi32>, vector<1024x32xi32> -> vector<1024x832xi32>
    %iota3A = tpu.iota {dimensions = array<i32: 1>} : vector<1x832xi32>
    %jit3A = arith.constant 32 : i32
    %eq3A = arith.constant 0 : i32
    %eq3A_107 = arith.cmpi eq, %jit3A, %eq3A : i32
    %jit3A_108 = arith.constant 1 : i32
    %select_n3A = arith.select %eq3A_107, %jit3A_108, %jit3A : i32
    %rem3A = vector.broadcast %select_n3A : i32 to vector<1x832xi32>
    %rem3A_109 = arith.remsi %iota3A, %rem3A : vector<1x832xi32>
    %ne3A = arith.constant 0 : i32
    %ne3A_110 = vector.broadcast %ne3A : i32 to vector<1x832xi32>
    %ne3A_111 = arith.cmpi ne, %rem3A_109, %ne3A_110 : vector<1x832xi32>
    %lt3A = arith.constant 0 : i32
    %lt3A_112 = vector.broadcast %lt3A : i32 to vector<1x832xi32>
    %lt3A_113 = arith.cmpi slt, %rem3A_109, %lt3A_112 : vector<1x832xi32>
    %lt3A_114 = arith.constant 0 : i32
    %lt3A_115 = arith.cmpi slt, %select_n3A, %lt3A_114 : i32
    %ne3A_116 = vector.broadcast %lt3A_115 : i1 to vector<1x832xi1>
    %ne3A_117 = vector.broadcast %ne3A_116 : vector<1x832xi1> to vector<1x832xi1>
    %ne3A_118 = arith.xori %lt3A_113, %ne3A_117 : vector<1x832xi1>
    %and3A = arith.andi %ne3A_118, %ne3A_111 : vector<1x832xi1>
    %add3A_119 = vector.broadcast %select_n3A : i32 to vector<1x832xi32>
    %add3A_120 = arith.addi %rem3A_109, %add3A_119 : vector<1x832xi32>
    %select_n3A_121 = arith.select %and3A, %add3A_120, %rem3A_109 : vector<1x832xi1>, vector<1x832xi32>
    %eq3A_122 = vector.broadcast %select_n3A_121 : vector<1x832xi32> to vector<1024x832xi32>
    %eq3A_123 = arith.cmpi eq, %concatenate3A, %eq3A_122 : vector<1024x832xi32>
    %convert_element_type3A = arith.extui %eq3A_123 : vector<1024x832xi1> to vector<1024x832xi32>
    %convert_element_type3A_124 = arith.sitofp %convert_element_type3A : vector<1024x832xi32> to vector<1024x832xf32>
    %get3A_125 = arith.constant 0 : index
    %get3A_126 = arith.constant 0 : index
    %get3A_127 = vector.load %arg10[%get3A_125, %get3A_126] : memref<1x128xf32, #tpu.memory_space<vmem>>, vector<1x128xf32>
    %mul3A_128 = vector.broadcast %get3A_127 : vector<1x128xf32> to vector<1024x128xf32>
    %mul3A_129 = arith.mulf %add3A_26, %mul3A_128 : vector<1024x128xf32>
    %reduce_sum3A = arith.constant dense<0.000000e+00> : vector<1024xf32>
    %reduce_sum3A_130 = vector.multi_reduction <add>, %mul3A_129, %reduce_sum3A [1] : vector<1024x128xf32> to vector<1024xf32>
    %broadcast_in_dim3A_131 = vector.shape_cast %reduce_sum3A_130 : vector<1024xf32> to vector<1024x1xf32>
    %get3A_132 = arith.constant 0 : index
    %get3A_133 = arith.constant 0 : index
    %get3A_134 = vector.load %arg7[%get3A_132, %get3A_133] : memref<1024x32xf32, #tpu.memory_space<vmem>>, vector<1024x32xf32>
    %get3A_135 = arith.constant 0 : index
    %get3A_136 = arith.constant 0 : index
    %get3A_137 = vector.load %arg9[%get3A_135, %get3A_136] : memref<1x32xf32, #tpu.memory_space<vmem>>, vector<1x32xf32>
    %mul3A_138 = vector.broadcast %get3A_137 : vector<1x32xf32> to vector<1024x32xf32>
    %mul3A_139 = arith.mulf %get3A_134, %mul3A_138 : vector<1024x32xf32>
    %reduce_sum3A_140 = arith.constant dense<0.000000e+00> : vector<1024xf32>
    %reduce_sum3A_141 = vector.multi_reduction <add>, %mul3A_139, %reduce_sum3A_140 [1] : vector<1024x32xf32> to vector<1024xf32>
    %broadcast_in_dim3A_142 = vector.shape_cast %reduce_sum3A_141 : vector<1024xf32> to vector<1024x1xf32>
    %add3A_143 = arith.addf %broadcast_in_dim3A_131, %broadcast_in_dim3A_142 : vector<1024x1xf32>
    %get3A_144 = arith.constant 0 : index
    %get3A_145 = arith.constant 0 : index
    %get3A_146 = vector.load %arg5[%get3A_144, %get3A_145] : memref<1024x832xf32, #tpu.memory_space<vmem>>, vector<1024x832xf32>
    %mul3A_147 = arith.mulf %get3A_146, %convert_element_type3A_124 : vector<1024x832xf32>
    %get3A_148 = arith.constant 0 : index
    %get3A_149 = arith.constant 0 : index
    %get3A_150 = vector.load %arg8[%get3A_148, %get3A_149] : memref<1x832xf32, #tpu.memory_space<vmem>>, vector<1x832xf32>
    %mul3A_151 = vector.broadcast %get3A_150 : vector<1x832xf32> to vector<1024x832xf32>
    %mul3A_152 = arith.mulf %mul3A_147, %mul3A_151 : vector<1024x832xf32>
    %reduce_sum3A_153 = arith.constant dense<0.000000e+00> : vector<1024xf32>
    %reduce_sum3A_154 = vector.multi_reduction <add>, %mul3A_152, %reduce_sum3A_153 [1] : vector<1024x832xf32> to vector<1024xf32>
    %broadcast_in_dim3A_155 = vector.shape_cast %reduce_sum3A_154 : vector<1024xf32> to vector<1024x1xf32>
    %add3A_156 = arith.addf %add3A_143, %broadcast_in_dim3A_155 : vector<1024x1xf32>
    %get3A_157 = arith.constant 0 : index
    %get3A_158 = arith.constant 0 : index
    %get3A_159 = vector.load %arg11[%get3A_157, %get3A_158] : memref<1x1xf32, #tpu.memory_space<vmem>>, vector<1x1xf32>
    %add3A_160 = vector.broadcast %get3A_159 : vector<1x1xf32> to vector<1024x1xf32>
    %add3A_161 = arith.addf %add3A_156, %add3A_160 : vector<1024x1xf32>
    %logistic3A = arith.negf %add3A_161 : vector<1024x1xf32>
    %logistic3A_162 = math.exp %logistic3A : vector<1024x1xf32>
    %logistic3A_163 = arith.constant 1.000000e+00 : f32
    %logistic3A_164 = vector.broadcast %logistic3A_163 : f32 to vector<1024x1xf32>
    %logistic3A_165 = arith.addf %logistic3A_164, %logistic3A_162 : vector<1024x1xf32>
    %logistic3A_166 = arith.divf %logistic3A_164, %logistic3A_165 : vector<1024x1xf32>
    %swap3A = arith.constant 0 : index
    %swap3A_167 = arith.constant 0 : index
    %swap3A_168 = vector.load %arg12[%swap3A, %swap3A_167] : memref<1024x1xf32, #tpu.memory_space<vmem>>, vector<1024x1xf32>
    tpu.vector_store %arg12[%swap3A, %swap3A_167], %logistic3A_166 {strides = array<i32>} : memref<1024x1xf32, #tpu.memory_space<vmem>>, vector<1024x1xf32>,
    return
  }
  func.func @transform_0(%arg0: i32) -> (i32, i32) {
    %c0_i32 = arith.constant 0 : i32
    %c0_i32_0 = arith.constant 0 : i32
    return %arg0, %c0_i32 : i32, i32
  }
  func.func @transform_1(%arg0: i32) -> (i32, i32) {
    %c0_i32 = arith.constant 0 : i32
    %c0_i32_0 = arith.constant 0 : i32
    %c0_i32_1 = arith.constant 0 : i32
    return %c0_i32, %c0_i32_0 : i32, i32
  }
  func.func @transform_2(%arg0: i32) -> (i32, i32) {
    %c0_i32 = arith.constant 0 : i32
    %c0_i32_0 = arith.constant 0 : i32
    %c0_i32_1 = arith.constant 0 : i32
    return %c0_i32, %c0_i32_0 : i32, i32
  }
  func.func @transform_3(%arg0: i32) -> (i32, i32) {
    %c0_i32 = arith.constant 0 : i32
    %c0_i32_0 = arith.constant 0 : i32
    %c0_i32_1 = arith.constant 0 : i32
    return %c0_i32, %c0_i32_0 : i32, i32
  }
  func.func @transform_4(%arg0: i32) -> (i32, i32) {
    %c0_i32 = arith.constant 0 : i32
    %c0_i32_0 = arith.constant 0 : i32
    return %arg0, %c0_i32 : i32, i32
  }
  func.func @transform_5(%arg0: i32) -> (i32, i32) {
    %c0_i32 = arith.constant 0 : i32
    %c0_i32_0 = arith.constant 0 : i32
    return %arg0, %c0_i32 : i32, i32
  }
  func.func @transform_6(%arg0: i32) -> (i32, i32) {
    %c0_i32 = arith.constant 0 : i32
    %c0_i32_0 = arith.constant 0 : i32
    return %arg0, %c0_i32 : i32, i32
  }
  func.func @transform_7(%arg0: i32) -> (i32, i32) {
    %c0_i32 = arith.constant 0 : i32
    %c0_i32_0 = arith.constant 0 : i32
    %c0_i32_1 = arith.constant 0 : i32
    return %c0_i32, %c0_i32_0 : i32, i32
  }
  func.func @transform_8(%arg0: i32) -> (i32, i32) {
    %c0_i32 = arith.constant 0 : i32
    %c0_i32_0 = arith.constant 0 : i32
    %c0_i32_1 = arith.constant 0 : i32
    return %c0_i32, %c0_i32_0 : i32, i32
  }
  func.func @transform_9(%arg0: i32) -> (i32, i32) {
    %c0_i32 = arith.constant 0 : i32
    %c0_i32_0 = arith.constant 0 : i32
    %c0_i32_1 = arith.constant 0 : i32
    return %c0_i32, %c0_i32_0 : i32, i32
  }
  func.func @transform_10(%arg0: i32) -> (i32, i32) {
    %c0_i32 = arith.constant 0 : i32
    %c0_i32_0 = arith.constant 0 : i32
    %c0_i32_1 = arith.constant 0 : i32
    return %c0_i32, %c0_i32_0 : i32, i32
  }
  func.func @transform_11(%arg0: i32) -> (i32, i32) {
    %c0_i32 = arith.constant 0 : i32
    %c0_i32_0 = arith.constant 0 : i32
    return %arg0, %c0_i32 : i32, i32
  }
}

</mosaic_0001>

<sc_bundles>
// kernel: kernel.7.cloned.1.call-start
scs
__scs_entry_jumppad:
0x0: {  	(pc) =	sbr.rel $0x88, $3  }
0x1: {  	(tag) =	ssettag $0x0;
	lr =	simm.s32 $0x1  }
0x2: {  	[smem:$0x3F91] =	sst lr;
	_ =	strace $0xD0000000  }
0x3: {  	_ = 	snop  }
0x4: {  	_ = 	snop  }
0x5: {  	_ = 	snop  }
0x6: {  	_ = 	snop  }
0x7: {  	_ = 	snop  }
__scs_overlays_trampoline_lowered:
0x8: {  	[smem:$0x3FA0] =	sst s0  }
0x9: {  	[smem:$0x3FA1] =	sst s1  }
0xa: {  	[smem:$0x3FA2] =	sst s2  }
0xb: {  	[smem:$0x3FA3] =	sst s3  }
0xc: {  	[smem:$0x3FA4] =	sst s4  }
0xd: {  	[smem:$0x3FA5] =	sst s5  }
0xe: {  	[smem:$0x3FA6] =	sst s6  }
0xf: {  	[smem:$0x3FA7] =	sst s7  }
0x10: {  	[smem:$0x3FA8] =	sst s8  }
0x11: {  	[smem:$0x3FA9] =	sst s9;
	s0 =	simm.s32 @!p0 $0x0  }
0x12: {  	s1 =	sld [smem:$0x3F8F];
	s0 =	simm.s32 @p0 $0x1  }
0x13: {  	[smem:$0x3FAA] =	sst s0;
	s0 =	simm.s32 @!p1 $0x0  }
0x14: {  	s2 =	sld [smem:$0x3F8E];
	s0 =	simm.s32 @p1 $0x1  }
0x15: {  	[smem:$0x3FAB] =	sst s0;
	s0 =	simm.s32 @!p2 $0x0  }
0x16: {  	s3 =	sld [smem:$0x3FDB];
	s0 =	simm.s32 @p2 $0x1  }
0x17: {  	s4 =	simm.s32 $0x1BF5;
	[smem:$0x3FAD] =	sst s0  }
0x18: {  	s0 =	sld [smem:$0x3F90];
	_ =	swait.ge [sflag:s4], $0x0  }
0x19: {  	s7 =	sld [smem:$0x3F91]  }
0x1a: {  	s8 =	sadd.s32 $0xFFFFE003, lr  }
0x1b: {  	s9 =	sadd.s32 $0xFFFFFEF7, lr;
	s5 =	simm.s32 $0xFFFFFFFF;
	p2 =	slt.u32 s8, $0xFFFFF086  }
0x1c: {  	p1 =	slt.u32 s9, $0xF7A;
	s5 =	simm.s32 @!p2 $0x0  }
0x1d: {  	s5 =	simm.s32 @p1 $0x1;
	p0 =	seq.s32 s7, s2  }
0x1e: {  	s7 =	smul.u32 @!p0 $0xF7A, s2;
	p2 =	seq.s32 @!p0 s5, $0x0  }
0x1f: {  	s9 =	smul.u32 $0xF7A, s1;
	s8 =	simm.s32 @!p0 $0x1BF5;
	p2 =	por !p2, p0  }
0x20: {  	[sflag:s8] =	ssyncset.s32 @!p0 $0xFFFFF086;
	s6 =	sadd.s32 @!p0 s3, s7;
	s7 =	simm.s32 @!p0 $0x108  }
0x21: {  	s3 =	sadd.s32 s3, s9;
	s6 =	sadd.s32 @!p0 $0x88, s6;
	s7 =	simm.s32 @p2 $0x1082  }
0x22: {  	[simem:s7], [sflag:s8] =	dma.local @!p0 [hbm:s6], $0xF7A  }
0x23: {  	s9 =	sor.u32 $0xD0000000, s2;
	s6 =	simm.s32 $0x108;
	_ =	swait.ge @!p0 [sflag:s8], $0x0  }
0x24: {  	s3 =	sadd.s32 $0x88, s3;
	s6 =	simm.s32 @!p1 $0x1082;
	[sflag:s4] =	ssyncset.s32 $0xFFFFF086  }
0x25: {  	[simem:s6], [sflag:s4] =	dma.local [hbm:s3], $0xF7A  }
0x26: {  	[smem:$0x3F91] =	sst s1;
	(tag) =	ssettag s2;
	_ =	strace s9  }
0x27: {  	s1 =	sld [smem:$0x3FA1]  }
0x28: {  	s2 =	sld [smem:$0x3FA2]  }
0x29: {  	s4 =	sld [smem:$0x3FA4]  }
0x2a: {  	p0 =	seq.s32 s5, $0x0;
	s5 =	sld [smem:$0x3FA5]  }
0x2b: {  	s6 =	sld [smem:$0x3FA6]  }
0x2c: {  	s7 =	sld [smem:$0x3FA7]  }
0x2d: {  	s3 =	simm.s32 $0x108;
	s8 =	sld [smem:$0x3FA8]  }
0x2e: {  	s3 =	simm.s32 @!p0 $0x1082;
	s9 =	sld [smem:$0x3FA9]  }
0x2f: {  	lr =	sadd.s32 s0, s3;
	s0 =	sld [smem:$0x3FA0]  }
0x30: {  	s3 =	sld [smem:$0x3FA3]  }
0x31: {  	[smem:$0x3FAC] =	sst s10  }
0x32: {  	s10 =	sld [smem:$0x3FAA];
	_ =	sdelay $0x3  }
0x33: {  	p0 =	seq.s32 s10, $0x1;
	s10 =	sld [smem:$0x3FAC];
	_ =	sdelay $0x3  }
0x34: {  	[smem:$0x3FAC] =	sst s10  }
0x35: {  	s10 =	sld [smem:$0x3FAB];
	_ =	sdelay $0x3  }
0x36: {  	p1 =	seq.s32 s10, $0x1;
	s10 =	sld [smem:$0x3FAC];
	_ =	sdelay $0x3  }
0x37: {  	[smem:$0x3FAC] =	sst s10  }
0x38: {  	s10 =	sld [smem:$0x3FAD]  }
0x39: {  	_ = 	snop;
	(pc) =	sbr.ind lr, $3  }
0x3a: {  	_ = 	snop  }
0x3b: {  	_ = 	snop  }
0x3c: {  	p2 =	seq.s32 s10, $0x1;
	s10 =	sld [smem:$0x3FAC]  }
0x3d: {  	_ =	shalt  }
0x3e: {  	_ =	shalt  }
0x3f: {  	_ =	shalt  }
0x40: {  	_ =	shalt  }
0x41: {  	_ =	shalt  }
0x42: {  	_ =	shalt  }
0x43: {  	_ =	shalt  }
0x44: {  	_ =	shalt  }
0x45: {  	_ =	shalt  }
0x46: {  	_ =	shalt  }
0x47: {  	_ =	shalt  }
0x48: {  	_ =	shalt  }
0x49: {  	_ =	shalt  }
0x4a: {  	_ =	shalt  }
0x4b: {  	_ =	shalt  }
0x4c: {  	_ =	shalt  }
0x4d: {  	_ =	shalt  }
0x4e: {  	_ =	shalt  }
0x4f: {  	_ =	shalt  }
0x50: {  	_ =	shalt  }
0x51: {  	_ =	shalt  }
0x52: {  	_ =	shalt  }
0x53: {  	_ =	shalt  }
0x54: {  	_ =	shalt  }
0x55: {  	_ =	shalt  }
0x56: {  	_ =	shalt  }
0x57: {  	_ =	shalt  }
0x58: {  	_ =	shalt  }
0x59: {  	_ =	shalt  }
0x5a: {  	_ =	shalt  }
0x5b: {  	_ =	shalt  }
0x5c: {  	_ =	shalt  }
0x5d: {  	_ =	shalt  }
0x5e: {  	_ =	shalt  }
0x5f: {  	_ =	shalt  }
0x60: {  	_ =	shalt  }
0x61: {  	_ =	shalt  }
0x62: {  	_ =	shalt  }
0x63: {  	_ =	shalt  }
0x64: {  	_ =	shalt  }
0x65: {  	_ =	shalt  }
0x66: {  	_ =	shalt  }
0x67: {  	_ =	shalt  }
0x68: {  	_ =	shalt  }
0x69: {  	_ =	shalt  }
0x6a: {  	_ =	shalt  }
0x6b: {  	_ =	shalt  }
0x6c: {  	_ =	shalt  }
0x6d: {  	_ =	shalt  }
0x6e: {  	_ =	shalt  }
0x6f: {  	_ =	shalt  }
0x70: {  	_ =	shalt  }
0x71: {  	_ =	shalt  }
0x72: {  	_ =	shalt  }
0x73: {  	_ =	shalt  }
0x74: {  	_ =	shalt  }
0x75: {  	_ =	shalt  }
0x76: {  	_ =	shalt  }
0x77: {  	_ =	shalt  }
0x78: {  	_ =	shalt  }
0x79: {  	_ =	shalt  }
0x7a: {  	_ =	shalt  }
0x7b: {  	_ =	shalt  }
0x7c: {  	_ =	shalt  }
0x7d: {  	_ =	shalt  }
0x7e: {  	_ =	shalt  }
0x7f: {  	_ =	shalt  }
0x80: {  	_ =	shalt  }
0x81: {  	_ =	shalt  }
0x82: {  	_ =	shalt  }
0x83: {  	_ =	shalt  }
0x84: {  	_ =	shalt  }
0x85: {  	_ =	shalt  }
0x86: {  	_ =	shalt  }
0x87: {  	_ =	shalt  }
.Lfunc_end0:
.L_simem_size_0:
called_computation_lowered:
.L_overlay_start_0:
0x88: {  	s2 =	sld [smem:$0x3FD9]  }
0x89: {  	s3 =	sld [smem:$0x3FFE];
	_ =	sdelay $0x1  }
0x8a: {  	s1 =	srdreg.scid  }
0x8b: {  	s0 =	sand.u32 $0x1, s1  }
0x8c: {  	s16 =	sshll.u32 s0, $0xA;
	s2 =	sadd.s32 s3, s2  }
0x8d: {  	s2 =	sadd.s32 s2, s16  }
0x8e: {  	[smem:$0x3FB8] =	sst s2  }
0x8f: {  	_ = 	snop  }
0x90: {  	(tm) =	ssettm $0x1  }
0x91: {  	s17 =	sld [smem:$0x3FFB];
	_ =	sdelay $0x3  }
0x92: {  	_ =	strace s17  }
0x93: {  	s2 =	sld [smem:$0x3FFC];
	_ =	sdelay $0x3  }
0x94: {  	_ =	strace s2  }
0x95: {  	s2 =	sld [smem:$0x3FFD];
	_ =	sdelay $0x3  }
0x96: {  	_ =	strace s2  }
0x97: {  	_ =	strace $0x8FFFFFFF  }
0x98: {  	s18 =	sld [smem:$0x3FDB];
	_ =	sdelay $0x1  }
0x99: {  	s19 =	simm.s32 $_scs_section_size  }
0x9a: {  	s4 =	simm.s32 $_size__tile_overlayer_lowered;
	s5 =	simm.s32 $_tile_overlayer_lowered  }
0x9b: {  	s22 =	simm.s32 $0x1BFF;
	s21 =	sshll.u32 s5, $0x1;
	s2 =	sadd.s32 s19, s18  }
0x9c: {  	s6 =	simm.s32 $0x0;
	s20 =	sshll.u32 s4, $0x1;
	s4 =	sadd.s32 s21, s2  }
0x9d: {  	[timem:s6], [sflag:s22] =	dma.local [hbm:s4], s20  }
0x9e: {  	_ =	swait.ge [sflag:s22], s20  }
0x9f: {  	s3 =	ssub.s32 $0x0, s20;
	[sflag:s22] =	ssyncset.done $0x0  }
0xa0: {  	[sflag:s22] =	ssyncadd.s32 s3;
	_ =	sdelay $0x1  }
0xa1: {  	s23 =	simm.s32 $0x1B8B  }
0xa2: {  	_ =	swait.ge [sflag:s23], $0x1  }
0xa3: {  	[sflag:s23] =	ssyncset.done $0x0  }
0xa4: {  	s25 =	simm.s32 $0x1B8E;
	s24 =	sld [smem:$0x3FFE];
	[sflag:s23] =	ssyncadd.s32 $0xFFFFFFFF  }
0xa5: {  	s26 =	simm.s32 $execute0_lowered;
	[smem:$0x3FD2] =	sst s25  }
0xa6: {  	s4 =	sshll.u32 s26, $0x1;
	_ =	strace $0x80000046;
	[dreg:$0x1] =	wrdreg $0xFFFFFFFF  }
0xa7: {  	s28 =	simm.s32 $_size_execute0_lowered;
	s2 =	sadd.s32 s2, s4;
	[dreg:$0x0] =	wrdreg $0x0  }
0xa8: {  	s4 =	sshll.u32 s28, $0x1;
	[dreg:$0x2] =	wrdreg s2  }
0xa9: {  	[dreg:$0x3] =	wrdreg s4  }
0xaa: {  	[dreg:$0x4] =	wrdreg $0xC0  }
0xab: {  	_ =	task [dreg:s6], $0x5FFFF  }
0xac: {  	[dreg:$0x1] =	wrdreg $0xFFFFFFFF  }
0xad: {  	[dreg:$0x0] =	wrdreg $0x60  }
0xae: {  	[dreg:$0x2] =	wrdreg s24  }
0xaf: {  	[dreg:$0x3] =	wrdreg $0x9  }
0xb0: {  	_ =	task.clear_ibuf [dreg:s6], $0x4FFFF;
	_ =	strace $0x90000046  }
0xb1: {  	s29 =	simm.s32 $0x9;
	_ =	strace $0x80000053  }
0xb2: {  	_ =	swait.ge [sflag:s29], $0x1  }
0xb3: {  	[sflag:s29] =	ssyncadd.s32 $0xFFFFFFFF  }
0xb4: {  	_ =	strace $0x90000053  }
0xb5: {  	_ =	sfence  }
0xb6: {  	s30 =	sld [smem:$0x0];
	_ =	sdelay $0x2  }
0xb7: {  	s31 =	sshll.u32 s1, $0xD;
	s1 =	sshrl.u32 s1, $0x2  }
0xb8: {  	s3 =	sand.u32 $0x4000, s31;
	s1 =	sadd.s32 s1, s30  }
0xb9: {  	s0 =	sor.u32 s3, s0;
	s1 =	sshll.u32 s1, $0x11  }
0xba: {  	s0 =	sor.u32 s1, s0  }
0xbb: {  	s0 =	sadd.s32 $0x8F2B, s0  }
0xbc: {  	[sflag:s0] =	ssyncadd.remote.s32 $0x1  }
0xbd: {  	_ =	sfence.sel $0xFFFF  }
0xbe: {  	[dreg:$0x0] =	wrdreg $0xFFFFFFFF;
	(pc) =	sbr.abs _section_cstart, $3  }
0xbf: {  	[dreg:$0x1] =	wrdreg $0xFFFFFFFF  }
0xc0: {  	_ =	task.clear_ibuf [dreg:s6], $0x2FFFF;
	_ =	strace $0x9FFFFFFF  }
0xc1: {  	(tm) =	ssettm $0x7FFFFFFF  }
tec
execute0_lowered:
.L_overlay_start_1:
0x0: {  	(tag) =	ssettag $0x1  }
0x1: {  	s0 =	rddreg [dreg:$0x0];
	s1 =	simm.s32 $0x0;
	s28 =	srdreg.scid  }
0x2: {  	s6 =	stileid.u32;
	s15 =	simm.s32 $0x200;
	s16 =	simm.s32 $0x9  }
0x3: {  	s17 =	simm.s32 $0x20;
	s18 =	simm.s32 $0x340;
	s19 =	simm.s32 $0x0  }
0x4: {  	[smem:$0x7FF] =	sst s1;
	s3 =	sadd.s32 $0x27AF600, s0;
	s4 =	sadd.s32 $0x3200, s0  }
0x5: {  	s1 =	sand.u32 $0x1, s28;
	s5 =	sadd.s32 $0x52800, s0;
	s7 =	sshll.u32 s6, $0x9  }
0x6: {  	s6 =	sadd.s32 $0x9F800, s0;
	s8 =	sadd.s32 $0xAC800, s0;
	s2 =	sshll.u32 s1, $0xD  }
0x7: {  	s9 =	sadd.s32 $0x24C800, s0;
	s1 =	ssub.s32 $0x2, s1;
	s7 =	sor.u32 s7, s2  }
0x8: {  	_ =	strace $0x80000047;
	s29 =	sshrl.u32 s1, $0x1;
	s10 =	sshrl.u32 s7, $0x3  }
0x9: {  	s30 =	ssub.s32 s1, s29;
	s12 =	smul.u32 $0x340, s7;
	s31 =	sadd.s32 s5, s10  }
0xa: {  	s11 =	sadd.s32 s6, s10;
	s13 =	smax.u32 s30, $0x1;
	[dreg:$0x2] =	wrdreg s31  }
.LBB2_1:
0xb: {  	_ =	strace $0x80000048;
	s0 =	simm.s32 $0x0;
	s29 =	simm.s32 $0x400  }
0xc: {  	s30 =	simm.s32 $0x1;
	s21 =	simm.s32 $0x1A;
	s31 =	simm.s32 $0x0  }
0xd: {  	s20 =	simm.s32 $0x0;
	s22 =	simm.s32 $0x0;
	s1 =	rddreg [dreg:$0x2]  }
0xe: {  	[tilespmem:s0], [sflag:$0x1] =	stream.linear.gather [hbm4b:s1+s0], $0x200, $0x200038;
	[tilespmem:$0x10800] =	vst v63  }
0xf: {  	s28 =	simm.s32 $0x0;
	s23 =	simm.s32 $0x0;
	s24 =	simm.s32 $0x0  }
0x10: {  	[tilespmem:s29], [sflag:$0x3] =	stream.linear.gather [hbm4b:s11+s0], $0x200, $0x200038;
	[tilespmem:$0x10800] =	vst v63  }
0x11: {  	s25 =	simm.s32 $0x1;
	s26 =	simm.s32 $0x0;
	_ =	strace $0x90000048  }
.LBB2_2:
0x12: {  	s29 =	sadd.s32 $0x1, s31  }
0x13: {  	p0 =	seq.s32 s29, $0x1A  }
0x14: {  	s29 =	simm.s32 @p0 $0x0;
	p0 =	seq.s32 s21, $0x1  }
0x15: {  	p1 =	seq.s32 @!p0 s31, s29  }
0x16: {  	p2 =	por p1, p0  }
0x17: {  	s0 =	sshll.u32 @!p2 s29, $0xE  }
0x18: {  	s1 =	sand.u32 @!p2 $0x1, s30;
	s0 =	sor.u32 @!p2 s7, s0  }
0x19: {  	_ =	strace @!p2 $0x80000049;
	s14 =	simm.s32 @!p2 $0x0;
	s0 =	sshrl.u32 @!p2 s0, $0x3  }
0x1a: {  	s2 =	sshll.u32 @!p2 s1, $0x9;
	s1 =	sadd.s32 @!p2 $0x1, s1;
	s10 =	sadd.s32 @!p2 s5, s0  }
0x1b: {  	[tilespmem:s2], [sflag:s1] =	stream.linear.gather @!p2 [hbm4b:s10+s14], $0x200, $0x200038;
	[tilespmem:$0x10800] =	vst v63  }
0x1c: {  	s1 =	sand.u32 @!p2 $0x1, s25  }
0x1d: {  	s0 =	sadd.s32 @!p2 s6, s0;
	_ =	strace @!p2 $0x90000049;
	s2 =	sshll.u32 @!p2 s1, $0x9  }
0x1e: {  	s1 =	sadd.s32 @!p2 $0x3, s1;
	_ =	strace @!p2 $0x8000004A;
	s2 =	sor.u32 @!p2 $0x400, s2  }
0x1f: {  	[tilespmem:s2], [sflag:s1] =	stream.linear.gather @!p2 [hbm4b:s0+s14], $0x200, $0x200038;
	[tilespmem:$0x10800] =	vst v63  }
0x20: {  	s1 =	sand.u32 $0x1, s26;
	_ =	strace @!p2 $0x9000004A  }
0x21: {  	s0 =	sadd.s32 $0x1, s1;
	_ =	strace $0x8000004B  }
0x22: {  	_ =	swait.ge [sflag:s0], $0x200  }
0x23: {  	[sflag:s0] =	ssyncset.done $0x0  }
0x24: {  	[sflag:s0] =	ssyncadd.s32 $0xFFFFFE00  }
0x25: {  	s2 =	sand.u32 $0x1, s24;
	_ =	strace $0x9000004B  }
0x26: {  	s0 =	sadd.s32 $0x3, s2;
	_ =	strace $0x8000004C  }
0x27: {  	_ =	swait.ge [sflag:s0], $0x200  }
0x28: {  	[sflag:s0] =	ssyncset.done $0x0  }
0x29: {  	s2 =	sand.u32 $0x1, s23;
	[sflag:s0] =	ssyncadd.s32 $0xFFFFFE00  }
0x2a: {  	s14 =	sshll.u32 s26, $0x9;
	s10 =	sshll.u32 s2, $0xE;
	_ =	strace $0x9000004C  }
0x2b: {  	s14 =	sand.u32 $0x200, s14;
	s1 =	sor.u32 $0x800, s10;
	_ =	strace $0x8000004D  }
0x2c: {  	[tilespmem:s1], [sflag:$0x9] =	stream.indirect.gather [hbm4b:s3+s15], $0x20, s14, s15, $0x2000b8;
	[tilespmem:$0x10800] =	vst v63  }
0x2d: {  	s0 =	sshll.u32 s24, $0x9;
	s14 =	sand.u32 $0x1, s22;
	_ =	swait.ge [sflag:s16], $0x4000  }
0x2e: {  	s0 =	sand.u32 $0x200, s0;
	s10 =	sshll.u32 s14, $0xE;
	[sflag:s16] =	ssyncset.done $0x0  }
0x2f: {  	s0 =	sor.u32 $0x400, s0;
	s10 =	sor.u32 $0x8800, s10;
	[sflag:s16] =	ssyncadd.s32 $0xFFFFC000  }
0x30: {  	[tilespmem:s10], [sflag:$0x9] =	stream.indirect.gather [hbm4b:s4+s15], $0x20, s0, s15, $0x2000b8;
	[tilespmem:$0x10800] =	vst v63  }
0x31: {  	p3 =	por p0, !p1;
	s0 =	simm.s32 $0x0;
	_ =	swait.ge [sflag:s16], $0x4000  }
0x32: {  	s0 =	sshll.u32 @p3 s31, $0x5;
	[sflag:s16] =	ssyncset.done $0x0  }
0x33: {  	s0 =	sadd.s32 @p3 s12, s0;
	[sflag:s16] =	ssyncadd.s32 $0xFFFFC000  }
0x34: {  	s0 =	sshrl.u32 @p3 s0, $0x3;
	_ =	strace $0x9000004D  }
0x35: {  	s2 =	sadd.s32 @p3 $0x5, s2;
	s31 =	sadd.s32 @p3 s8, s0;
	_ =	strace @p3 $0x8000004E  }
0x36: {  	[hbm4b:s31+s17] =	stream.strided.scatter @p3 [tilespmem:s1], [sflag:s2], $0x4000, s18, s17, $0x200038;
	[tilespmem:$0x10800] =	vst v63  }
0x37: {  	p1 =	por !p1, p0;
	s23 =	sadd.s32 @p3 $0x1, s23;
	_ =	strace @p3 $0x9000004E  }
0x38: {  	s0 =	sadd.s32 @p3 s9, s0;
	s1 =	sadd.s32 @p3 $0x7, s14;
	_ =	strace @p3 $0x8000004F  }
0x39: {  	[hbm4b:s0+s17] =	stream.strided.scatter @p3 [tilespmem:s10], [sflag:s1], $0x4000, s18, s17, $0x200038;
	[tilespmem:$0x10800] =	vst v63  }
0x3a: {  	s0 =	simm.s32 @p3 $0x1;
	_ =	strace @p3 $0x9000004F;
	p3 =	seq.s32 s21, $0x1A  }
0x3b: {  	s2 =	sadd.s32 @!p2 $0x1, s30;
	s14 =	smov.u32 s30;
	s1 =	sand.u32 @!p3 $0x1, s28  }
0x3c: {  	s14 =	smov.u32 @p1 s2;
	_ =	strace @!p3 $0x80000050;
	s1 =	sadd.s32 @!p3 $0x5, s1  }
0x3d: {  	s31 =	smov.u32 s29;
	s14 =	smov.u32 @p0 s30;
	_ =	swait.ge @!p3 [sflag:s1], $0x4000  }
0x3e: {  	s30 =	smov.u32 s14;
	s22 =	sadd.s32 s22, s0;
	[sflag:s1] =	ssyncset.done @!p3 $0x0  }
0x3f: {  	s21 =	sadd.s32 $0xFFFFFFFF, s21;
	[sflag:s1] =	ssyncadd.s32 @!p3 $0xFFFFC000;
	s1 =	simm.s32 $0x0  }
0x40: {  	s26 =	sadd.s32 s26, s0;
	s10 =	sand.u32 @!p3 $0x1, s20;
	s1 =	simm.s32 @p1 $0x1  }
0x41: {  	_ =	strace @!p3 $0x90000050;
	s1 =	simm.s32 @p0 $0x0;
	p0 =	sne.s32 s21, $0x0  }
.Ltmp0:
0x42: {  	s10 =	sadd.s32 @!p3 $0x7, s10;
	_ =	strace @!p3 $0x80000051;
	(pc) =	sbr.rel @p0 .LBB2_2-.Ltmp0, $4  }
0x43: {  	s24 =	sadd.s32 s24, s0;
	s2 =	simm.s32 @!p3 $0x1;
	_ =	swait.ge @!p3 [sflag:s10], $0x4000  }
0x44: {  	s25 =	sadd.s32 s25, s1;
	s1 =	sadd.s32 @!p3 $0x1, s28;
	[sflag:s10] =	ssyncset.done @!p3 $0x0  }
0x45: {  	s2 =	simm.s32 @p3 $0x0;
	s1 =	smov.u32 @p3 s28;
	[sflag:s10] =	ssyncadd.s32 @!p3 $0xFFFFC000  }
0x46: {  	s20 =	sadd.s32 s20, s2;
	s28 =	smov.u32 s1;
	_ =	strace @!p3 $0x90000051  }
0x47: {  	s0 =	sand.u32 $0x1, s1  }
0x48: {  	_ =	strace $0x80000052;
	s0 =	sadd.s32 $0x5, s0  }
0x49: {  	s19 =	sadd.s32 $0x1, s19;
	_ =	swait.ge [sflag:s0], $0x4000  }
0x4a: {  	s30 =	sand.u32 $0x1, s20;
	p0 =	sne.s32 s19, s13;
	[sflag:s0] =	ssyncset.done $0x0  }
.Ltmp1:
0x4b: {  	s31 =	sadd.s32 $0x7, s30;
	[sflag:s0] =	ssyncadd.s32 $0xFFFFC000;
	(pc) =	sbr.rel @p0 .LBB2_1-.Ltmp1, $4  }
0x4c: {  	_ =	swait.ge [sflag:s31], $0x4000  }
0x4d: {  	[sflag:s31] =	ssyncset.done $0x0  }
0x4e: {  	[sflag:s31] =	ssyncadd.s32 $0xFFFFC000  }
0x4f: {  	_ =	strace $0x90000052  }
0x50: {  	_ =	sfence.sel $0x180000  }
0x51: {  	[bflag:$0x0] =	sbarrier.arrive $0xFFFF  }
0x52: {  	_ =	strace $0x90000047  }
0x53: {  	s0 =	stileid.u32;
	[bflag:$0x2] =	sbarrier.arrive $0xFFFF  }
0x54: {  	p0 =	sne.s32 s0, $0x0;
	s0 =	rddreg [dreg:$0x1]  }
0x55: {  	s0 =	sadd.s32 @!p0 $0x100000, s0  }
0x56: {  	[sflag:s0] =	ssyncadd.tile.s32 @!p0 $0x1;
	_ =	shalt  }
.Lfunc_end2:
_tile_overlayer_lowered:
.L_overlay_start_2:
0x57: {  	(tag) =	ssettag $0x2  }
0x58: {  	s0 =	rddreg [dreg:$0x0];
	s2 =	stileid.u32  }
0x59: {  	s1 =	rddreg [dreg:$0x1];
	p0 =	sne.s32 s2, $0x0  }
0x5a: {  	s3 =	rddreg [dreg:$0x2];
	[bflag:$0x3] =	sbarrier.arrive $0xFFFF;
	s2 =	simm.s32 @!p0 $0x1C01  }
0x5b: {  	[timem:s3], [sflag:s2] =	dma.local @!p0 [hbm:s0], s1  }
0x5c: {  	s0 =	simm.s32 @!p0 $0x1  }
0x5d: {  	_ =	swait.ge @!p0 [sflag:s0], s1  }
0x5e: {  	s1 =	ssub.s32 @!p0 $0x0, s1;
	[sflag:s0] =	ssyncset.done @!p0 $0x0  }
0x5f: {  	[sflag:s0] =	ssyncadd.s32 @!p0 s1  }
0x60: {  	[bflag:$0x3] =	sbarrier.arrive $0xFFFF  }
0x61: {  	_ =	shalt  }

</sc_bundles>
